<compile_context>
chip_gen: v7x
topology: tpu7x:2x2x1
jax: 0.10.2.dev20260603
libtpu: 0.0.44.dev20260713+nightly
codegen_flags: <defaults>
</compile_context>

<pallas_src>
import functools

import jax
import jax.numpy as jnp
from jax import lax
from jax.experimental import pallas as pl
from jax.experimental.pallas import tpu as pltpu
from jax.experimental.pallas import tpu_sc as plsc

F32 = jnp.float32
I32 = jnp.int32


def _router_body(x_ref, wr_ref, pos_ref, grow_ref, offs_ref, sb_ref, se_ref,
                 cnt, cntb, offs_s, tril_s, *, TB, E, NB, BM):
    phase = pl.program_id(0)
    b = pl.program_id(1)

    @pl.when((phase == 0) & (b == 0))
    def _init():
        cnt[...] = jnp.zeros_like(cnt)

    xb = x_ref[...]
    w = wr_ref[...]
    logits = jnp.dot(xb, w, preferred_element_type=F32)
    m = jnp.max(logits, axis=1, keepdims=True)
    gate = 1.0 / jnp.sum(jnp.exp(logits - m), axis=1)
    ie = lax.broadcasted_iota(I32, (TB, E), 1)
    eid = jnp.min(jnp.where(logits == m, ie, E), axis=1)
    ie128 = lax.broadcasted_iota(I32, (TB, 128), 1)
    oh128 = (ie128 == eid[:, None]).astype(F32)
    grow_ref[...] = jnp.broadcast_to(gate[:, None], (TB, 128))

    ones_row = jnp.full((1, TB), 1.0, F32)

    @pl.when(phase == 0)
    def _count():
        cnt[0:1, :] = cnt[0:1, :] + jnp.dot(ones_row, oh128,
                                            preferred_element_type=F32)

    @pl.when((phase == 0) & (b == NB - 1))
    def _fin():
        ei = lax.broadcasted_iota(I32, (128, 128), 0)
        ai = lax.broadcasted_iota(I32, (128, 128), 1)
        lt = (ei < ai).astype(F32)
        counts = cnt[0:1, :]
        offs = jnp.dot(counts, lt, precision=lax.Precision.HIGHEST,
                       preferred_element_type=F32)
        offs_s[0:1, :] = offs
        offs_ref[...] = offs.astype(I32)
        starts_i = offs.astype(I32)
        ends_i = (offs + counts).astype(I32)
        fb = starts_i // BM
        nb = jnp.where(counts > 0, (ends_i + BM - 1) // BM - fb, 0)
        nb_f = nb.astype(F32)
        fs = jnp.dot(nb_f, lt, precision=lax.Precision.HIGHEST,
                     preferred_element_type=F32)
        eyem = (ei == ai).astype(F32)
        fs_col = jnp.sum(jnp.broadcast_to(fs, (128, 128)) * eyem,
                         axis=1, keepdims=True)
        nb_col = jnp.sum(jnp.broadcast_to(nb_f, (128, 128)) * eyem,
                         axis=1, keepdims=True)
        fb_col = jnp.sum(jnp.broadcast_to(fb.astype(F32), (128, 128)) * eyem,
                         axis=1, keepdims=True)
        s_f = ai.astype(F32)
        cond = (nb_col > 0.0) & (fs_col <= s_f)
        se_row = jnp.max(jnp.where(cond, ei, -1), axis=0, keepdims=True)
        oh_se = (ei == jnp.broadcast_to(se_row, (128, 128))).astype(F32)
        fb_at = jnp.sum(oh_se * jnp.broadcast_to(fb_col, (128, 128)),
                        axis=0, keepdims=True)
        fs_at = jnp.sum(oh_se * jnp.broadcast_to(fs_col, (128, 128)),
                        axis=0, keepdims=True)
        nb_at = jnp.sum(oh_se * jnp.broadcast_to(nb_col, (128, 128)),
                        axis=0, keepdims=True)
        s_row = lax.broadcasted_iota(I32, (1, 128), 1).astype(F32)
        sb_row = fb_at + (s_row - fs_at)
        sb_row = jnp.minimum(sb_row, fb_at + nb_at - 1.0)
        sb_ref[...] = sb_row.astype(I32)
        se_ref[...] = se_row

    @pl.when((phase == 1) & (b == 0))
    def _initb():
        cntb[...] = jnp.zeros_like(cntb)
        ir = lax.broadcasted_iota(I32, (TB, TB), 0)
        ic = lax.broadcasted_iota(I32, (TB, TB), 1)
        tril_s[...] = (ic < ir).astype(F32)

    @pl.when(phase == 1)
    def _pos():
        rblk = jnp.dot(tril_s[...], oh128, preferred_element_type=F32)
        posf = jnp.sum((rblk + cntb[0:1, :] + offs_s[0:1, :]) * oh128, axis=1)
        cntb[0:1, :] = cntb[0:1, :] + jnp.dot(ones_row, oh128,
                                              preferred_element_type=F32)
        pos_ref[...] = posf.astype(I32).reshape(1, 1, TB)


def _router_call(x, wr, TB, BM):
    T, D = x.shape
    E = wr.shape[1]
    NB = T // TB
    body = functools.partial(_router_body, TB=TB, E=E, NB=NB, BM=BM)
    pos3, grows, offs2, sb2, se2 = pl.pallas_call(
        body,
        grid=(2, NB),
        in_specs=[
            pl.BlockSpec((TB, D), lambda p, s: (s, 0)),
            pl.BlockSpec((D, E), lambda p, s: (0, 0)),
        ],
        out_specs=[
            pl.BlockSpec((1, 1, TB), lambda p, s: (s, 0, 0)),
            pl.BlockSpec((TB, 128), lambda p, s: (s, 0)),
            pl.BlockSpec((1, 128), lambda p, s: (0, 0)),
            pl.BlockSpec((1, 128), lambda p, s: (0, 0)),
            pl.BlockSpec((1, 128), lambda p, s: (0, 0)),
        ],
        out_shape=(
            jax.ShapeDtypeStruct((NB, 1, TB), I32),
            jax.ShapeDtypeStruct((T, 128), F32),
            jax.ShapeDtypeStruct((1, 128), I32),
            jax.ShapeDtypeStruct((1, 128), I32),
            jax.ShapeDtypeStruct((1, 128), I32),
        ),
        scratch_shapes=[pltpu.VMEM((8, 128), F32), pltpu.VMEM((8, 128), F32),
                        pltpu.VMEM((8, 128), F32), pltpu.VMEM((TB, TB), F32)],
    )(x, wr)
    return (pos3.reshape(T), grows, offs2.reshape(128), sb2.reshape(128),
            se2.reshape(128))


def _dispatch_call(x, grows, pos):
    T, D = x.shape
    NW = 32
    CH = T // NW
    mesh = plsc.VectorSubcoreMesh(core_axis_name="c", subcore_axis_name="s")

    @functools.partial(
        pl.kernel,
        mesh=mesh,
        out_type=(
            jax.ShapeDtypeStruct((T, D), F32),
            jax.ShapeDtypeStruct((T, 128), F32),
        ),
        scratch_types=[
            pltpu.VMEM((CH, D), F32),
            pltpu.VMEM((CH, 128), F32),
            pltpu.VMEM((CH,), I32),
            pltpu.SemaphoreType.DMA,
            pltpu.SemaphoreType.DMA,
        ],
    )
    def disp(x_hbm, grow_hbm, pos_hbm, xs_hbm, gs_hbm,
             rows_v, grows_v, pos_v, sem, sem2):
        wid = lax.axis_index("s") * 2 + lax.axis_index("c")
        base = wid * CH
        cpx = pltpu.async_copy(x_hbm.at[pl.ds(base, CH)], rows_v, sem)
        cpg = pltpu.async_copy(grow_hbm.at[pl.ds(base, CH)], grows_v, sem2)
        pltpu.sync_copy(pos_hbm.at[pl.ds(base, CH)], pos_v)
        cpx.wait()
        cpg.wait()
        s1 = pltpu.async_copy(rows_v, xs_hbm.at[pos_v], sem)
        s2 = pltpu.async_copy(grows_v, gs_hbm.at[pos_v], sem2)
        s1.wait()
        s2.wait()

    return disp(x, grows, pos)


def _gemm_body(sb_r, se_r, offs_r, x_ref, g_ref, w1_ref, b1_ref, w2_ref,
               b2_ref, out_ref, *, BM, D, F):
    s = pl.program_id(0)
    b = sb_r[s]
    e = se_r[s]
    start = offs_r[e]
    end = offs_r[e + 1]
    x = x_ref[...]
    w1 = w1_ref[...].reshape(D, F)
    h = jax.nn.gelu(jnp.dot(x, w1, preferred_element_type=F32)
                    + b1_ref[...].reshape(1, F))
    w2 = w2_ref[...].reshape(F, D)
    y = jnp.dot(h, w2, preferred_element_type=F32) + b2_ref[...].reshape(1, D)
    y = y * g_ref[...][:, 0:1]
    row = b * BM + lax.broadcasted_iota(I32, (BM, 1), 0)
    mask = (row >= start) & (row < end)
    prev_b = jnp.where(s > 0, sb_r[jnp.maximum(s - 1, 0)], -1)
    old = jnp.where(prev_b == b, out_ref[...], 0.0)
    out_ref[...] = jnp.where(mask, y, old)


def _gemm_call(x_sorted, gate_rows, W1, b1, W2, b2, sb, se, offs, BM, S):
    Ts, D = x_sorted.shape
    E, _, F = W1.shape
    body = functools.partial(_gemm_body, BM=BM, D=D, F=F)
    grid_spec = pltpu.PrefetchScalarGridSpec(
        num_scalar_prefetch=3,
        grid=(S,),
        in_specs=[
            pl.BlockSpec((BM, D), lambda s, sb, se, of: (sb[s], 0)),
            pl.BlockSpec((BM, 128), lambda s, sb, se, of: (sb[s], 0)),
            pl.BlockSpec((1, D, F), lambda s, sb, se, of: (se[s], 0, 0)),
            pl.BlockSpec((1, 1, F), lambda s, sb, se, of: (se[s], 0, 0)),
            pl.BlockSpec((1, F, D), lambda s, sb, se, of: (se[s], 0, 0)),
            pl.BlockSpec((1, 1, D), lambda s, sb, se, of: (se[s], 0, 0)),
        ],
        out_specs=pl.BlockSpec((BM, D), lambda s, sb, se, of: (sb[s], 0)),
    )
    return pl.pallas_call(
        body,
        grid_spec=grid_spec,
        out_shape=jax.ShapeDtypeStruct((Ts, D), F32),
    )(sb, se, offs, x_sorted, gate_rows, W1, b1.reshape(E, 1, F), W2,
      b2.reshape(E, 1, D))


def _combine_call(y_sorted, pos):
    T, D = y_sorted.shape
    NW = 32
    CH = T // NW
    mesh = plsc.VectorSubcoreMesh(core_axis_name="c", subcore_axis_name="s")

    @functools.partial(
        pl.kernel,
        mesh=mesh,
        out_type=jax.ShapeDtypeStruct((T, D), F32),
        scratch_types=[
            pltpu.VMEM((CH,), I32),
            pltpu.VMEM((CH, D), F32),
            pltpu.SemaphoreType.DMA,
        ],
    )
    def comb(ys_hbm, pos_hbm, y_hbm, pos_v, rows_v, sem):
        wid = lax.axis_index("s") * 2 + lax.axis_index("c")
        base = wid * CH
        pltpu.sync_copy(pos_hbm.at[pl.ds(base, CH)], pos_v)
        pltpu.async_copy(ys_hbm.at[pos_v], rows_v, sem).wait()
        pltpu.sync_copy(rows_v, y_hbm.at[pl.ds(base, CH)])

    return comb(y_sorted, pos)


def kernel(hidden_states, W_router, W1, b1, W2, b2):
    T, D = hidden_states.shape
    E = W_router.shape[1]
    F = W1.shape[2]
    TB = 512
    BM = 256
    NB = T // BM
    S = NB + E - 1

    pos, grows, offs, sb, se = _router_call(hidden_states, W_router, TB, BM)
    x_sorted, gate_rows = _dispatch_call(hidden_states, grows, pos)
    y_sorted = _gemm_call(x_sorted, gate_rows, W1, b1, W2, b2, sb, se, offs,
                          BM, S)
    return _combine_call(y_sorted, pos)

# --- scband reference (transcript-rebuilt; emitter-appended) ---
"""Pipeline reference for scband-mo-e-layer-flux-10892037063036 (READ-ONLY COPY).

The authoritative reference and input builder live on the scoring server;
editing this copy changes nothing except your own understanding.
"""

import jax, jax.numpy as jnp
import numpy as np

E = 64      # num_experts
K = 1       # top_k
D = 768     # d_model (hidden_size)
F = 768     # d_ff (model_dim per expert)
T = 4096    # tokens = batch(2) * seq_len(2048)


def setup_inputs(seed: int = 0) -> dict:
    key = jax.random.key(seed)
    k0, k1, k2, k3 = jax.random.split(key, 4)
    return {
        "hidden_states": jax.random.normal(k0, (T, D), dtype=jnp.float32),
        "W_router": jax.random.normal(k1, (D, E), dtype=jnp.float32) * 0.02,
        "W1": jax.random.normal(k2, (E, D, F), dtype=jnp.float32) * 0.02,
        "b1": jnp.zeros((E, F), dtype=jnp.float32),
        "W2": jax.random.normal(k3, (E, F, D), dtype=jnp.float32) * 0.02,
        "b2": jnp.zeros((E, D), dtype=jnp.float32),
    }


def reference(hidden_states, W_router, W1, b1, W2, b2):
    # TopKRouter: logits -> softmax -> top-k gate probs + expert ids
    T_, D_ = hidden_states.shape
    logits = hidden_states @ W_router                      # [T, E]
    probs = jax.nn.softmax(logits, axis=-1)
    gate, topi = jax.lax.top_k(probs, K)                   # [T, K] each

    # Dispatch (flux GemmGroupedV3AGScatter semantics): replicate tokens per
    # assignment, sort by expert id so each expert sees a contiguous block.
    flat_e = topi.reshape(-1)                              # [T*K] expert ids
    sort_idx = jnp.argsort(flat_e)                         # scatter_index
    token_idx = jnp.repeat(jnp.arange(T_), K)              # [T*K]
    x_sorted = hidden_states[token_idx][sort_idx]          # [T*K, D]
    e_sorted = flat_e[sort_idx]                            # [T*K] expert ids

    # Grouped expert MLP (fc1 scatter-GEMM, activation, fc2 gather-GEMM)
    def expert_step(carry, ewb):
        W1e, b1e, W2e, b2e, e = ewb
        h = jax.nn.gelu(x_sorted @ W1e + b1e)              # [T*K, F]
        ye = h @ W2e + b2e                                 # [T*K, D]
        mask = (e_sorted == e)[:, None]
        return carry + jnp.where(mask, ye, jnp.zeros_like(ye)), None

    y_sorted, _ = jax.lax.scan(
        expert_step,
        jnp.zeros((T_ * K, D_), dtype=hidden_states.dtype),
        (W1, b1, W2, b2, jnp.arange(E)),
    )                                                      # [T*K, D]

    # Un-sort (gather-RS) and combine weighted by gate probs
    y_flat = jnp.zeros((T_ * K, D_), dtype=hidden_states.dtype).at[sort_idx].set(y_sorted)
    y = (y_flat.reshape(T_, K, D_) * gate[..., None]).sum(axis=1)
    return y

if __name__ == "__main__":
    import jax
    _d = setup_inputs()
    print(jax.jit(kernel)(*tuple(_d.values())))

</pallas_src>

<mosaic_0001>
#map = affine_map<(d0, d1) -> (0, 0)>
#map1 = affine_map<(d0, d1) -> (0)>
module attributes {stable_mosaic.version = 14 : i64} {
  func.func @disp(%arg0: i32, %arg1: i32, %arg2: memref<4096x768xf32, #tpu.memory_space<hbm>>, %arg3: memref<4096x128xf32, #tpu.memory_space<hbm>>, %arg4: memref<4096xi32, #tpu.memory_space<hbm>>, %arg5: memref<4096x768xf32, #tpu.memory_space<hbm>>, %arg6: memref<4096x128xf32, #tpu.memory_space<hbm>>, %arg7: memref<128x768xf32, #tpu.memory_space<vmem>>, %arg8: memref<128x128xf32, #tpu.memory_space<vmem>>, %arg9: memref<128xi32, #tpu.memory_space<vmem>>, %arg10: memref<!tpu.dma_semaphore, #tpu.memory_space<semaphore_mem>>, %arg11: memref<!tpu.dma_semaphore, #tpu.memory_space<semaphore_mem>>) attributes {dimension_semantics = [#tpu.dimension_semantics<core_parallel>, #tpu.dimension_semantics<subcore_parallel>], iteration_bounds = array<i64: 2, 16>, scalar_prefetch = 0 : i64, scratch_operands = 5 : i64, tpu.core_type = #tpu.core_type<sc_vector_subcore>, window_params = [{transform_indices = #map}, {transform_indices = #map}, {transform_indices = #map1}, {transform_indices = #map}, {transform_indices = #map}]} {
    %mul3A = arith.constant 2 : i32
    %mul3A_0 = arith.muli %arg1, %mul3A : i32
    %add3A = arith.addi %mul3A_0, %arg0 : i32
    %mul3A_1 = arith.constant 128 : i32
    %mul3A_2 = arith.muli %add3A, %mul3A_1 : i32
    %dma_start3A = arith.constant 0 : i32
    %dma_start3A_3 = tpu.memref_slice %arg2[%mul3A_2, %dma_start3A] : memref<4096x768xf32, #tpu.memory_space<hbm>> -> memref<128x768xf32, #tpu.memory_space<hbm>>
    %dma_start3A_4 = arith.constant 0 : i32
    %dma_start3A_5 = tpu.memref_slice %arg2[%mul3A_2, %dma_start3A_4] : memref<4096x768xf32, #tpu.memory_space<hbm>> -> memref<128x768xf32, #tpu.memory_space<hbm>>
    tpu.enqueue_dma source(%dma_start3A_5 : memref<128x768xf32, #tpu.memory_space<hbm>>) target(%arg7 : memref<128x768xf32, #tpu.memory_space<vmem>>) target_semaphore(%arg10 : memref<!tpu.dma_semaphore, #tpu.memory_space<semaphore_mem>>)
    %dma_start3A_6 = arith.constant 0 : i32
    %dma_start3A_7 = tpu.memref_slice %arg3[%mul3A_2, %dma_start3A_6] : memref<4096x128xf32, #tpu.memory_space<hbm>> -> memref<128x128xf32, #tpu.memory_space<hbm>>
    %dma_start3A_8 = arith.constant 0 : i32
    %dma_start3A_9 = tpu.memref_slice %arg3[%mul3A_2, %dma_start3A_8] : memref<4096x128xf32, #tpu.memory_space<hbm>> -> memref<128x128xf32, #tpu.memory_space<hbm>>
    tpu.enqueue_dma source(%dma_start3A_9 : memref<128x128xf32, #tpu.memory_space<hbm>>) target(%arg8 : memref<128x128xf32, #tpu.memory_space<vmem>>) target_semaphore(%arg11 : memref<!tpu.dma_semaphore, #tpu.memory_space<semaphore_mem>>)
    "tpu.region"() ({
      %run_scoped3A = tpu.sem_alloc : memref<!tpu.dma_semaphore, #tpu.memory_space<semaphore_mem>>
      %dma_start3A_29 = tpu.memref_slice %arg4[%mul3A_2] : memref<4096xi32, #tpu.memory_space<hbm>> -> memref<128xi32, #tpu.memory_space<hbm>>
      %dma_start3A_30 = tpu.memref_slice %arg4[%mul3A_2] : memref<4096xi32, #tpu.memory_space<hbm>> -> memref<128xi32, #tpu.memory_space<hbm>>
      tpu.enqueue_dma source(%dma_start3A_30 : memref<128xi32, #tpu.memory_space<hbm>>) target(%arg9 : memref<128xi32, #tpu.memory_space<vmem>>) target_semaphore(%run_scoped3A : memref<!tpu.dma_semaphore, #tpu.memory_space<semaphore_mem>>)
      %dma_wait3A_31 = tpu.memref_slice %arg4[%mul3A_2] : memref<4096xi32, #tpu.memory_space<hbm>> -> memref<128xi32, #tpu.memory_space<hbm>>
      %dma_wait3A_32 = tpu.memref_slice %arg4[%mul3A_2] : memref<4096xi32, #tpu.memory_space<hbm>> -> memref<128xi32, #tpu.memory_space<hbm>>
      tpu.wait_dma2 semaphore(%run_scoped3A : memref<!tpu.dma_semaphore, #tpu.memory_space<semaphore_mem>>) src(%dma_wait3A_32 : memref<128xi32, #tpu.memory_space<hbm>>) dst(%arg9 : memref<128xi32, #tpu.memory_space<vmem>>)
      tpu.yield
    }) : () -> ()
    %dma_wait3A = arith.constant 0 : i32
    %dma_wait3A_10 = tpu.memref_slice %arg2[%mul3A_2, %dma_wait3A] : memref<4096x768xf32, #tpu.memory_space<hbm>> -> memref<128x768xf32, #tpu.memory_space<hbm>>
    %dma_wait3A_11 = arith.constant 0 : i32
    %dma_wait3A_12 = tpu.memref_slice %arg2[%mul3A_2, %dma_wait3A_11] : memref<4096x768xf32, #tpu.memory_space<hbm>> -> memref<128x768xf32, #tpu.memory_space<hbm>>
    tpu.wait_dma2 semaphore(%arg10 : memref<!tpu.dma_semaphore, #tpu.memory_space<semaphore_mem>>) src(%dma_wait3A_12 : memref<128x768xf32, #tpu.memory_space<hbm>>) dst(%arg7 : memref<128x768xf32, #tpu.memory_space<vmem>>)
    %dma_wait3A_13 = arith.constant 0 : i32
    %dma_wait3A_14 = tpu.memref_slice %arg3[%mul3A_2, %dma_wait3A_13] : memref<4096x128xf32, #tpu.memory_space<hbm>> -> memref<128x128xf32, #tpu.memory_space<hbm>>
    %dma_wait3A_15 = arith.constant 0 : i32
    %dma_wait3A_16 = tpu.memref_slice %arg3[%mul3A_2, %dma_wait3A_15] : memref<4096x128xf32, #tpu.memory_space<hbm>> -> memref<128x128xf32, #tpu.memory_space<hbm>>
    tpu.wait_dma2 semaphore(%arg11 : memref<!tpu.dma_semaphore, #tpu.memory_space<semaphore_mem>>) src(%dma_wait3A_16 : memref<128x128xf32, #tpu.memory_space<hbm>>) dst(%arg8 : memref<128x128xf32, #tpu.memory_space<vmem>>)
    %dma_start3A_17 = arith.constant 0 : i32
    %dma_start3A_18 = arith.constant 0 : i32
    %dma_start3A_19 = tpu.memref_slice %arg5[%dma_start3A_17, %dma_start3A_18] : memref<4096x768xf32, #tpu.memory_space<hbm>> -> memref<4096x768xf32, #tpu.memory_space<hbm>>
    tpu.enqueue_indirect_dma source(%arg7 : memref<128x768xf32, #tpu.memory_space<vmem>>) target(%dma_start3A_19 : memref<4096x768xf32, #tpu.memory_space<hbm>>) offsets(%arg9 : memref<128xi32, #tpu.memory_space<vmem>>) semaphore(%arg10 : memref<!tpu.dma_semaphore, #tpu.memory_space<semaphore_mem>>)
    %dma_start3A_20 = arith.constant 0 : i32
    %dma_start3A_21 = arith.constant 0 : i32
    %dma_start3A_22 = tpu.memref_slice %arg6[%dma_start3A_20, %dma_start3A_21] : memref<4096x128xf32, #tpu.memory_space<hbm>> -> memref<4096x128xf32, #tpu.memory_space<hbm>>
    tpu.enqueue_indirect_dma source(%arg8 : memref<128x128xf32, #tpu.memory_space<vmem>>) target(%dma_start3A_22 : memref<4096x128xf32, #tpu.memory_space<hbm>>) offsets(%arg9 : memref<128xi32, #tpu.memory_space<vmem>>) semaphore(%arg11 : memref<!tpu.dma_semaphore, #tpu.memory_space<semaphore_mem>>)
    %dma_wait3A_23 = arith.constant 0 : i32
    %dma_wait3A_24 = arith.constant 0 : i32
    %dma_wait3A_25 = tpu.memref_slice %arg5[%dma_wait3A_23, %dma_wait3A_24] : memref<4096x768xf32, #tpu.memory_space<hbm>> -> memref<4096x768xf32, #tpu.memory_space<hbm>>
    tpu.wait_indirect_dma semaphore(%arg10 : memref<!tpu.dma_semaphore, #tpu.memory_space<semaphore_mem>>) src(%arg7 : memref<128x768xf32, #tpu.memory_space<vmem>>) dst(%dma_wait3A_25 : memref<4096x768xf32, #tpu.memory_space<hbm>>)
    %dma_wait3A_26 = arith.constant 0 : i32
    %dma_wait3A_27 = arith.constant 0 : i32
    %dma_wait3A_28 = tpu.memref_slice %arg6[%dma_wait3A_26, %dma_wait3A_27] : memref<4096x128xf32, #tpu.memory_space<hbm>> -> memref<4096x128xf32, #tpu.memory_space<hbm>>
    tpu.wait_indirect_dma semaphore(%arg11 : memref<!tpu.dma_semaphore, #tpu.memory_space<semaphore_mem>>) src(%arg8 : memref<128x128xf32, #tpu.memory_space<vmem>>) dst(%dma_wait3A_28 : memref<4096x128xf32, #tpu.memory_space<hbm>>)
    return
  }
}

#map = affine_map<(d0, d1) -> (0, 0)>
#map1 = affine_map<(d0, d1) -> (0)>
module attributes {stable_mosaic.version = 14 : i64} {
  func.func @comb(%arg0: i32, %arg1: i32, %arg2: memref<4096x768xf32, #tpu.memory_space<hbm>>, %arg3: memref<4096xi32, #tpu.memory_space<hbm>>, %arg4: memref<4096x768xf32, #tpu.memory_space<hbm>>, %arg5: memref<128xi32, #tpu.memory_space<vmem>>, %arg6: memref<128x768xf32, #tpu.memory_space<vmem>>, %arg7: memref<!tpu.dma_semaphore, #tpu.memory_space<semaphore_mem>>) attributes {dimension_semantics = [#tpu.dimension_semantics<core_parallel>, #tpu.dimension_semantics<subcore_parallel>], iteration_bounds = array<i64: 2, 16>, scalar_prefetch = 0 : i64, scratch_operands = 3 : i64, tpu.core_type = #tpu.core_type<sc_vector_subcore>, window_params = [{transform_indices = #map}, {transform_indices = #map1}, {transform_indices = #map}]} {
    %mul3A = arith.constant 2 : i32
    %mul3A_0 = arith.muli %arg1, %mul3A : i32
    %add3A = arith.addi %mul3A_0, %arg0 : i32
    %mul3A_1 = arith.constant 128 : i32
    %mul3A_2 = arith.muli %add3A, %mul3A_1 : i32
    "tpu.region"() ({
      %run_scoped3A = tpu.sem_alloc : memref<!tpu.dma_semaphore, #tpu.memory_space<semaphore_mem>>
      %dma_start3A_7 = tpu.memref_slice %arg3[%mul3A_2] : memref<4096xi32, #tpu.memory_space<hbm>> -> memref<128xi32, #tpu.memory_space<hbm>>
      %dma_start3A_8 = tpu.memref_slice %arg3[%mul3A_2] : memref<4096xi32, #tpu.memory_space<hbm>> -> memref<128xi32, #tpu.memory_space<hbm>>
      tpu.enqueue_dma source(%dma_start3A_8 : memref<128xi32, #tpu.memory_space<hbm>>) target(%arg5 : memref<128xi32, #tpu.memory_space<vmem>>) target_semaphore(%run_scoped3A : memref<!tpu.dma_semaphore, #tpu.memory_space<semaphore_mem>>)
      %dma_wait3A_9 = tpu.memref_slice %arg3[%mul3A_2] : memref<4096xi32, #tpu.memory_space<hbm>> -> memref<128xi32, #tpu.memory_space<hbm>>
      %dma_wait3A_10 = tpu.memref_slice %arg3[%mul3A_2] : memref<4096xi32, #tpu.memory_space<hbm>> -> memref<128xi32, #tpu.memory_space<hbm>>
      tpu.wait_dma2 semaphore(%run_scoped3A : memref<!tpu.dma_semaphore, #tpu.memory_space<semaphore_mem>>) src(%dma_wait3A_10 : memref<128xi32, #tpu.memory_space<hbm>>) dst(%arg5 : memref<128xi32, #tpu.memory_space<vmem>>)
      tpu.yield
    }) : () -> ()
    %dma_start3A = arith.constant 0 : i32
    %dma_start3A_3 = arith.constant 0 : i32
    %dma_start3A_4 = tpu.memref_slice %arg2[%dma_start3A, %dma_start3A_3] : memref<4096x768xf32, #tpu.memory_space<hbm>> -> memref<4096x768xf32, #tpu.memory_space<hbm>>
    tpu.enqueue_indirect_dma source(%dma_start3A_4 : memref<4096x768xf32, #tpu.memory_space<hbm>>) target(%arg6 : memref<128x768xf32, #tpu.memory_space<vmem>>) offsets(%arg5 : memref<128xi32, #tpu.memory_space<vmem>>) semaphore(%arg7 : memref<!tpu.dma_semaphore, #tpu.memory_space<semaphore_mem>>)
    %dma_wait3A = arith.constant 0 : i32
    %dma_wait3A_5 = arith.constant 0 : i32
    %dma_wait3A_6 = tpu.memref_slice %arg2[%dma_wait3A, %dma_wait3A_5] : memref<4096x768xf32, #tpu.memory_space<hbm>> -> memref<4096x768xf32, #tpu.memory_space<hbm>>
    tpu.wait_indirect_dma semaphore(%arg7 : memref<!tpu.dma_semaphore, #tpu.memory_space<semaphore_mem>>) src(%dma_wait3A_6 : memref<4096x768xf32, #tpu.memory_space<hbm>>) dst(%arg6 : memref<128x768xf32, #tpu.memory_space<vmem>>)
    "tpu.region"() ({
      %run_scoped3A = tpu.sem_alloc : memref<!tpu.dma_semaphore, #tpu.memory_space<semaphore_mem>>
      %dma_start3A_7 = arith.constant 0 : i32
      %dma_start3A_8 = tpu.memref_slice %arg4[%mul3A_2, %dma_start3A_7] : memref<4096x768xf32, #tpu.memory_space<hbm>> -> memref<128x768xf32, #tpu.memory_space<hbm>>
      %dma_start3A_9 = arith.constant 0 : i32
      %dma_start3A_10 = tpu.memref_slice %arg4[%mul3A_2, %dma_start3A_9] : memref<4096x768xf32, #tpu.memory_space<hbm>> -> memref<128x768xf32, #tpu.memory_space<hbm>>
      tpu.enqueue_dma source(%arg6 : memref<128x768xf32, #tpu.memory_space<vmem>>) target(%dma_start3A_10 : memref<128x768xf32, #tpu.memory_space<hbm>>) target_semaphore(%run_scoped3A : memref<!tpu.dma_semaphore, #tpu.memory_space<semaphore_mem>>)
      %dma_wait3A_11 = arith.constant 0 : i32
      %dma_wait3A_12 = tpu.memref_slice %arg4[%mul3A_2, %dma_wait3A_11] : memref<4096x768xf32, #tpu.memory_space<hbm>> -> memref<128x768xf32, #tpu.memory_space<hbm>>
      %dma_wait3A_13 = arith.constant 0 : i32
      %dma_wait3A_14 = tpu.memref_slice %arg4[%mul3A_2, %dma_wait3A_13] : memref<4096x768xf32, #tpu.memory_space<hbm>> -> memref<128x768xf32, #tpu.memory_space<hbm>>
      tpu.wait_dma2 semaphore(%run_scoped3A : memref<!tpu.dma_semaphore, #tpu.memory_space<semaphore_mem>>) src(%arg6 : memref<128x768xf32, #tpu.memory_space<vmem>>) dst(%dma_wait3A_14 : memref<128x768xf32, #tpu.memory_space<hbm>>)
      tpu.yield
    }) : () -> ()
    return
  }
}

module attributes {stable_mosaic.version = 14 : i64} {
  func.func @_gemm_body(%arg0: i32, %arg1: memref<128xi32, #tpu.memory_space<smem>>, %arg2: memref<128xi32, #tpu.memory_space<smem>>, %arg3: memref<128xi32, #tpu.memory_space<smem>>, %arg4: memref<256x768xf32, #tpu.memory_space<vmem>>, %arg5: memref<256x128xf32, #tpu.memory_space<vmem>>, %arg6: memref<1x768x768xf32, #tpu.memory_space<vmem>>, %arg7: memref<1x1x768xf32, #tpu.memory_space<vmem>>, %arg8: memref<1x768x768xf32, #tpu.memory_space<vmem>>, %arg9: memref<1x1x768xf32, #tpu.memory_space<vmem>>, %arg10: memref<256x768xf32, #tpu.memory_space<vmem>>) attributes {dimension_semantics = [#tpu.dimension_semantics<arbitrary>], iteration_bounds = array<i64: 79>, scalar_prefetch = 3 : i64, scratch_operands = 0 : i64, tpu.core_type = #tpu.core_type<tc>, window_params = [{transform_indices = @transform_0, window_bounds = array<i64: 256, 768>}, {transform_indices = @transform_1, window_bounds = array<i64: 256, 128>}, {transform_indices = @transform_2, window_bounds = array<i64: 1, 768, 768>}, {transform_indices = @transform_3, window_bounds = array<i64: 1, 1, 768>}, {transform_indices = @transform_4, window_bounds = array<i64: 1, 768, 768>}, {transform_indices = @transform_5, window_bounds = array<i64: 1, 1, 768>}, {transform_indices = @transform_6, window_bounds = array<i64: 256, 768>}]} {
    %get3A = arith.index_cast %arg0 : i32 to index
    %get3A_0 = memref.load %arg1[%get3A] : memref<128xi32, #tpu.memory_space<smem>>
    %get3A_1 = arith.index_cast %arg0 : i32 to index
    %get3A_2 = memref.load %arg2[%get3A_1] : memref<128xi32, #tpu.memory_space<smem>>
    %get3A_3 = arith.index_cast %get3A_2 : i32 to index
    %get3A_4 = memref.load %arg3[%get3A_3] : memref<128xi32, #tpu.memory_space<smem>>
    %add3A = arith.constant 1 : i32
    %add3A_5 = arith.addi %get3A_2, %add3A : i32
    %get3A_6 = arith.index_cast %add3A_5 : i32 to index
    %get3A_7 = memref.load %arg3[%get3A_6] : memref<128xi32, #tpu.memory_space<smem>>
    %get3A_8 = arith.constant 0 : index
    %get3A_9 = arith.constant 0 : index
    %get3A_10 = vector.load %arg4[%get3A_8, %get3A_9] : memref<256x768xf32, #tpu.memory_space<vmem>>, vector<256x768xf32>
    %get3A_11 = arith.constant 0 : index
    %get3A_12 = arith.constant 0 : index
    %get3A_13 = arith.constant 0 : index
    %get3A_14 = vector.load %arg6[%get3A_11, %get3A_12, %get3A_13] : memref<1x768x768xf32, #tpu.memory_space<vmem>>, vector<1x768x768xf32>
    %reshape3A = vector.shape_cast %get3A_14 : vector<1x768x768xf32> to vector<768x768xf32>
    %dot_general3A = arith.constant dense<0.000000e+00> : vector<256x768xf32>
    %dot_general3A_15 = tpu.matmul %get3A_10, %reshape3A, %dot_general3A {dimension_numbers = #tpu.dot_dimension_numbers<[1], [0], [0], [1], [0, 0, 1, 1], [], []>, transpose_lhs_hint = false} : vector<256x768xf32>, vector<768x768xf32>, vector<256x768xf32> -> vector<256x768xf32>
    %get3A_16 = arith.constant 0 : index
    %get3A_17 = arith.constant 0 : index
    %get3A_18 = arith.constant 0 : index
    %get3A_19 = vector.load %arg7[%get3A_16, %get3A_17, %get3A_18] : memref<1x1x768xf32, #tpu.memory_space<vmem>>, vector<1x1x768xf32>
    %reshape3A_20 = vector.shape_cast %get3A_19 : vector<1x1x768xf32> to vector<1x768xf32>
    %add3A_21 = vector.broadcast %reshape3A_20 : vector<1x768xf32> to vector<256x768xf32>
    %add3A_22 = arith.addf %dot_general3A_15, %add3A_21 : vector<256x768xf32>
    %integer_pow3A = arith.mulf %add3A_22, %add3A_22 : vector<256x768xf32>
    %integer_pow3A_23 = arith.mulf %add3A_22, %integer_pow3A : vector<256x768xf32>
    %mul3A = arith.constant 4.471500e-02 : f32
    %mul3A_24 = vector.broadcast %mul3A : f32 to vector<256x768xf32>
    %mul3A_25 = arith.mulf %mul3A_24, %integer_pow3A_23 : vector<256x768xf32>
    %add3A_26 = arith.addf %add3A_22, %mul3A_25 : vector<256x768xf32>
    %mul3A_27 = arith.constant 0.797884583 : f32
    %mul3A_28 = vector.broadcast %mul3A_27 : f32 to vector<256x768xf32>
    %mul3A_29 = arith.mulf %mul3A_28, %add3A_26 : vector<256x768xf32>
    %tanh3A = math.tanh %mul3A_29 : vector<256x768xf32>
    %add3A_30 = arith.constant 1.000000e+00 : f32
    %add3A_31 = vector.broadcast %add3A_30 : f32 to vector<256x768xf32>
    %add3A_32 = arith.addf %add3A_31, %tanh3A : vector<256x768xf32>
    %mul3A_33 = arith.constant 5.000000e-01 : f32
    %mul3A_34 = vector.broadcast %mul3A_33 : f32 to vector<256x768xf32>
    %mul3A_35 = arith.mulf %mul3A_34, %add3A_32 : vector<256x768xf32>
    %mul3A_36 = arith.mulf %add3A_22, %mul3A_35 : vector<256x768xf32>
    %get3A_37 = arith.constant 0 : index
    %get3A_38 = arith.constant 0 : index
    %get3A_39 = arith.constant 0 : index
    %get3A_40 = vector.load %arg8[%get3A_37, %get3A_38, %get3A_39] : memref<1x768x768xf32, #tpu.memory_space<vmem>>, vector<1x768x768xf32>
    %reshape3A_41 = vector.shape_cast %get3A_40 : vector<1x768x768xf32> to vector<768x768xf32>
    %dot_general3A_42 = arith.constant dense<0.000000e+00> : vector<256x768xf32>
    %dot_general3A_43 = tpu.matmul %mul3A_36, %reshape3A_41, %dot_general3A_42 {dimension_numbers = #tpu.dot_dimension_numbers<[1], [0], [0], [1], [0, 0, 1, 1], [], []>, transpose_lhs_hint = false} : vector<256x768xf32>, vector<768x768xf32>, vector<256x768xf32> -> vector<256x768xf32>
    %get3A_44 = arith.constant 0 : index
    %get3A_45 = arith.constant 0 : index
    %get3A_46 = arith.constant 0 : index
    %get3A_47 = vector.load %arg9[%get3A_44, %get3A_45, %get3A_46] : memref<1x1x768xf32, #tpu.memory_space<vmem>>, vector<1x1x768xf32>
    %reshape3A_48 = vector.shape_cast %get3A_47 : vector<1x1x768xf32> to vector<1x768xf32>
    %add3A_49 = vector.broadcast %reshape3A_48 : vector<1x768xf32> to vector<256x768xf32>
    %add3A_50 = arith.addf %dot_general3A_43, %add3A_49 : vector<256x768xf32>
    %get3A_51 = arith.constant 0 : index
    %get3A_52 = arith.constant 0 : index
    %get3A_53 = vector.load %arg5[%get3A_51, %get3A_52] : memref<256x128xf32, #tpu.memory_space<vmem>>, vector<256x128xf32>
    %slice3A = vector.extract_strided_slice %get3A_53 {offsets = [0, 0], sizes = [256, 1], strides = [1, 1]} : vector<256x128xf32> to vector<256x1xf32>
    %mul3A_54 = vector.broadcast %slice3A : vector<256x1xf32> to vector<256x768xf32>
    %mul3A_55 = arith.mulf %add3A_50, %mul3A_54 : vector<256x768xf32>
    %mul3A_56 = arith.constant 256 : i32
    %mul3A_57 = arith.muli %get3A_0, %mul3A_56 : i32
    %iota3A = tpu.iota {dimensions = array<i32: 0>} : vector<256x1xi32>
    %add3A_58 = vector.broadcast %mul3A_57 : i32 to vector<256x1xi32>
    %add3A_59 = arith.addi %add3A_58, %iota3A : vector<256x1xi32>
    %ge3A = vector.broadcast %get3A_4 : i32 to vector<256x1xi32>
    %ge3A_60 = arith.cmpi sge, %add3A_59, %ge3A : vector<256x1xi32>
    %lt3A = vector.broadcast %get3A_7 : i32 to vector<256x1xi32>
    %lt3A_61 = arith.cmpi slt, %add3A_59, %lt3A : vector<256x1xi32>
    %and3A = arith.andi %ge3A_60, %lt3A_61 : vector<256x1xi1>
    %gt3A = arith.constant 0 : i32
    %gt3A_62 = arith.cmpi sgt, %arg0, %gt3A : i32
    %sub3A = arith.constant 1 : i32
    %sub3A_63 = arith.subi %arg0, %sub3A : i32
    %max3A = arith.constant 0 : i32
    %max3A_64 = arith.maxsi %sub3A_63, %max3A : i32
    %get3A_65 = arith.index_cast %max3A_64 : i32 to index
    %get3A_66 = memref.load %arg1[%get3A_65] : memref<128xi32, #tpu.memory_space<smem>>
    %jit3A = arith.constant -1 : i32
    %select_n3A = arith.select %gt3A_62, %get3A_66, %jit3A : i32
    %eq3A = arith.cmpi eq, %select_n3A, %get3A_0 : i32
    %get3A_67 = arith.constant 0 : index
    %get3A_68 = arith.constant 0 : index
    %get3A_69 = vector.load %arg10[%get3A_67, %get3A_68] : memref<256x768xf32, #tpu.memory_space<vmem>>, vector<256x768xf32>
    %jit3A_70 = arith.constant 0.000000e+00 : f32
    %broadcast_in_dim3A = vector.broadcast %jit3A_70 : f32 to vector<256x768xf32>
    %select_n3A_71 = arith.select %eq3A, %get3A_69, %broadcast_in_dim3A : vector<256x768xf32>
    %broadcast_in_dim3A_72 = vector.shape_cast %and3A : vector<256x1xi1> to vector<256x1xi1>
    %broadcast_in_dim3A_73 = vector.broadcast %broadcast_in_dim3A_72 : vector<256x1xi1> to vector<256x768xi1>
    %select_n3A_74 = arith.select %broadcast_in_dim3A_73, %mul3A_55, %select_n3A_71 : vector<256x768xi1>, vector<256x768xf32>
    %swap3A = arith.constant 0 : index
    %swap3A_75 = arith.constant 0 : index
    %swap3A_76 = vector.load %arg10[%swap3A, %swap3A_75] : memref<256x768xf32, #tpu.memory_space<vmem>>, vector<256x768xf32>
    tpu.vector_store %arg10[%swap3A, %swap3A_75], %select_n3A_74 {strides = array<i32>} : memref<256x768xf32, #tpu.memory_space<vmem>>, vector<256x768xf32>,
    return
  }
  func.func @transform_0(%arg0: i32, %arg1: memref<128xi32, #tpu.memory_space<smem>>, %arg2: memref<128xi32, #tpu.memory_space<smem>>, %arg3: memref<128xi32, #tpu.memory_space<smem>>) -> (i32, i32) {
    %get3A = arith.index_cast %arg0 : i32 to index
    %get3A_0 = memref.load %arg1[%get3A] : memref<128xi32, #tpu.memory_space<smem>>
    %c0_i32 = arith.constant 0 : i32
    %c0_i32_1 = arith.constant 0 : i32
    return %get3A_0, %c0_i32 : i32, i32
  }
  func.func @transform_1(%arg0: i32, %arg1: memref<128xi32, #tpu.memory_space<smem>>, %arg2: memref<128xi32, #tpu.memory_space<smem>>, %arg3: memref<128xi32, #tpu.memory_space<smem>>) -> (i32, i32) {
    %get3A = arith.index_cast %arg0 : i32 to index
    %get3A_0 = memref.load %arg1[%get3A] : memref<128xi32, #tpu.memory_space<smem>>
    %c0_i32 = arith.constant 0 : i32
    %c0_i32_1 = arith.constant 0 : i32
    return %get3A_0, %c0_i32 : i32, i32
  }
  func.func @transform_2(%arg0: i32, %arg1: memref<128xi32, #tpu.memory_space<smem>>, %arg2: memref<128xi32, #tpu.memory_space<smem>>, %arg3: memref<128xi32, #tpu.memory_space<smem>>) -> (i32, i32, i32) {
    %get3A = arith.index_cast %arg0 : i32 to index
    %get3A_0 = memref.load %arg2[%get3A] : memref<128xi32, #tpu.memory_space<smem>>
    %c0_i32 = arith.constant 0 : i32
    %c0_i32_1 = arith.constant 0 : i32
    %c0_i32_2 = arith.constant 0 : i32
    return %get3A_0, %c0_i32, %c0_i32_1 : i32, i32, i32
  }
  func.func @transform_3(%arg0: i32, %arg1: memref<128xi32, #tpu.memory_space<smem>>, %arg2: memref<128xi32, #tpu.memory_space<smem>>, %arg3: memref<128xi32, #tpu.memory_space<smem>>) -> (i32, i32, i32) {
    %get3A = arith.index_cast %arg0 : i32 to index
    %get3A_0 = memref.load %arg2[%get3A] : memref<128xi32, #tpu.memory_space<smem>>
    %c0_i32 = arith.constant 0 : i32
    %c0_i32_1 = arith.constant 0 : i32
    %c0_i32_2 = arith.constant 0 : i32
    return %get3A_0, %c0_i32, %c0_i32_1 : i32, i32, i32
  }
  func.func @transform_4(%arg0: i32, %arg1: memref<128xi32, #tpu.memory_space<smem>>, %arg2: memref<128xi32, #tpu.memory_space<smem>>, %arg3: memref<128xi32, #tpu.memory_space<smem>>) -> (i32, i32, i32) {
    %get3A = arith.index_cast %arg0 : i32 to index
    %get3A_0 = memref.load %arg2[%get3A] : memref<128xi32, #tpu.memory_space<smem>>
    %c0_i32 = arith.constant 0 : i32
    %c0_i32_1 = arith.constant 0 : i32
    %c0_i32_2 = arith.constant 0 : i32
    return %get3A_0, %c0_i32, %c0_i32_1 : i32, i32, i32
  }
  func.func @transform_5(%arg0: i32, %arg1: memref<128xi32, #tpu.memory_space<smem>>, %arg2: memref<128xi32, #tpu.memory_space<smem>>, %arg3: memref<128xi32, #tpu.memory_space<smem>>) -> (i32, i32, i32) {
    %get3A = arith.index_cast %arg0 : i32 to index
    %get3A_0 = memref.load %arg2[%get3A] : memref<128xi32, #tpu.memory_space<smem>>
    %c0_i32 = arith.constant 0 : i32
    %c0_i32_1 = arith.constant 0 : i32
    %c0_i32_2 = arith.constant 0 : i32
    return %get3A_0, %c0_i32, %c0_i32_1 : i32, i32, i32
  }
  func.func @transform_6(%arg0: i32, %arg1: memref<128xi32, #tpu.memory_space<smem>>, %arg2: memref<128xi32, #tpu.memory_space<smem>>, %arg3: memref<128xi32, #tpu.memory_space<smem>>) -> (i32, i32) {
    %get3A = arith.index_cast %arg0 : i32 to index
    %get3A_0 = memref.load %arg1[%get3A] : memref<128xi32, #tpu.memory_space<smem>>
    %c0_i32 = arith.constant 0 : i32
    %c0_i32_1 = arith.constant 0 : i32
    return %get3A_0, %c0_i32 : i32, i32
  }
}

module attributes {stable_mosaic.version = 14 : i64} {
  func.func @_router_body(%arg0: i32, %arg1: i32, %arg2: memref<512x768xf32, #tpu.memory_space<vmem>>, %arg3: memref<768x64xf32, #tpu.memory_space<vmem>>, %arg4: memref<1x1x512xi32, #tpu.memory_space<vmem>>, %arg5: memref<512x128xf32, #tpu.memory_space<vmem>>, %arg6: memref<1x128xi32, #tpu.memory_space<vmem>>, %arg7: memref<1x128xi32, #tpu.memory_space<vmem>>, %arg8: memref<1x128xi32, #tpu.memory_space<vmem>>, %arg9: memref<8x128xf32, #tpu.memory_space<vmem>>, %arg10: memref<8x128xf32, #tpu.memory_space<vmem>>, %arg11: memref<8x128xf32, #tpu.memory_space<vmem>>, %arg12: memref<512x512xf32, #tpu.memory_space<vmem>>) attributes {dimension_semantics = [#tpu.dimension_semantics<arbitrary>, #tpu.dimension_semantics<arbitrary>], iteration_bounds = array<i64: 2, 8>, scalar_prefetch = 0 : i64, scratch_operands = 4 : i64, tpu.core_type = #tpu.core_type<tc>, window_params = [{transform_indices = @transform_0, window_bounds = array<i64: 512, 768>}, {pipeline_mode = #tpu.pipeline_mode<synchronous>, transform_indices = @transform_1, window_bounds = array<i64: 768, 64>}, {transform_indices = @transform_2, window_bounds = array<i64: 1, 1, 512>}, {transform_indices = @transform_3, window_bounds = array<i64: 512, 128>}, {pipeline_mode = #tpu.pipeline_mode<synchronous>, transform_indices = @transform_4, window_bounds = array<i64: 1, 128>}, {pipeline_mode = #tpu.pipeline_mode<synchronous>, transform_indices = @transform_5, window_bounds = array<i64: 1, 128>}, {pipeline_mode = #tpu.pipeline_mode<synchronous>, transform_indices = @transform_6, window_bounds = array<i64: 1, 128>}]} {
    %eq3A = arith.constant 0 : i32
    %eq3A_0 = arith.cmpi eq, %arg0, %eq3A : i32
    %eq3A_1 = arith.constant 0 : i32
    %eq3A_2 = arith.cmpi eq, %arg1, %eq3A_1 : i32
    %and3A = arith.andi %eq3A_0, %eq3A_2 : i1
    %convert_element_type3A = arith.extui %and3A : i1 to i32
    %cond3A = arith.constant 0 : i32
    %cond3A_3 = arith.cmpi ne, %convert_element_type3A, %cond3A : i32
    scf.if %cond3A_3 {
      %broadcast_in_dim3A_58 = arith.constant 0.000000e+00 : f32
      %broadcast_in_dim3A_59 = vector.broadcast %broadcast_in_dim3A_58 : f32 to vector<8x128xf32>
      %swap3A_60 = arith.constant 0 : index
      %swap3A_61 = arith.constant 0 : index
      %swap3A_62 = vector.load %arg9[%swap3A_60, %swap3A_61] : memref<8x128xf32, #tpu.memory_space<vmem>>, vector<8x128xf32>
      tpu.vector_store %arg9[%swap3A_60, %swap3A_61], %broadcast_in_dim3A_59 {strides = array<i32>} : memref<8x128xf32, #tpu.memory_space<vmem>>, vector<8x128xf32>,
    } else {
    }
    %get3A = arith.constant 0 : index
    %get3A_4 = arith.constant 0 : index
    %get3A_5 = vector.load %arg2[%get3A, %get3A_4] : memref<512x768xf32, #tpu.memory_space<vmem>>, vector<512x768xf32>
    %get3A_6 = arith.constant 0 : index
    %get3A_7 = arith.constant 0 : index
    %get3A_8 = vector.load %arg3[%get3A_6, %get3A_7] : memref<768x64xf32, #tpu.memory_space<vmem>>, vector<768x64xf32>
    %dot_general3A = arith.constant dense<0.000000e+00> : vector<512x64xf32>
    %dot_general3A_9 = tpu.matmul %get3A_5, %get3A_8, %dot_general3A {dimension_numbers = #tpu.dot_dimension_numbers<[1], [0], [0], [1], [0, 0, 1, 1], [], []>, transpose_lhs_hint = false} : vector<512x768xf32>, vector<768x64xf32>, vector<512x64xf32> -> vector<512x64xf32>
    %reduce_max3A = arith.constant dense<0xFF800000> : vector<512xf32>
    %reduce_max3A_10 = vector.multi_reduction <maximumf>, %dot_general3A_9, %reduce_max3A [1] : vector<512x64xf32> to vector<512xf32>
    %broadcast_in_dim3A = vector.shape_cast %reduce_max3A_10 : vector<512xf32> to vector<512x1xf32>
    %sub3A = vector.broadcast %broadcast_in_dim3A : vector<512x1xf32> to vector<512x64xf32>
    %sub3A_11 = arith.subf %dot_general3A_9, %sub3A : vector<512x64xf32>
    %exp3A = math.exp %sub3A_11 : vector<512x64xf32>
    %reduce_sum3A = arith.constant dense<0.000000e+00> : vector<512xf32>
    %reduce_sum3A_12 = vector.multi_reduction <add>, %exp3A, %reduce_sum3A [1] : vector<512x64xf32> to vector<512xf32>
    %div3A = arith.constant 1.000000e+00 : f32
    %div3A_13 = vector.broadcast %div3A : f32 to vector<512xf32>
    %div3A_14 = arith.divf %div3A_13, %reduce_sum3A_12 : vector<512xf32>
    %iota3A = tpu.iota {dimensions = array<i32: 1>} : vector<512x64xi32>
    %eq3A_15 = vector.broadcast %broadcast_in_dim3A : vector<512x1xf32> to vector<512x64xf32>
    %eq3A_16 = arith.cmpf oeq, %dot_general3A_9, %eq3A_15 : vector<512x64xf32>
    %jit3A = arith.constant 64 : i32
    %broadcast_in_dim3A_17 = vector.broadcast %jit3A : i32 to vector<512x64xi32>
    %select_n3A = arith.select %eq3A_16, %iota3A, %broadcast_in_dim3A_17 : vector<512x64xi1>, vector<512x64xi32>
    %reduce_min3A = arith.constant dense<2147483647> : vector<512xi32>
    %reduce_min3A_18 = vector.multi_reduction <minsi>, %select_n3A, %reduce_min3A [1] : vector<512x64xi32> to vector<512xi32>
    %iota3A_19 = tpu.iota {dimensions = array<i32: 1>} : vector<512x128xi32>
    %broadcast_in_dim3A_20 = vector.shape_cast %reduce_min3A_18 : vector<512xi32> to vector<512x1xi32>
    %eq3A_21 = vector.broadcast %broadcast_in_dim3A_20 : vector<512x1xi32> to vector<512x128xi32>
    %eq3A_22 = arith.cmpi eq, %iota3A_19, %eq3A_21 : vector<512x128xi32>
    %convert_element_type3A_23 = arith.extui %eq3A_22 : vector<512x128xi1> to vector<512x128xi32>
    %convert_element_type3A_24 = arith.sitofp %convert_element_type3A_23 : vector<512x128xi32> to vector<512x128xf32>
    %broadcast_in_dim3A_25 = vector.shape_cast %div3A_14 : vector<512xf32> to vector<512x1xf32>
    %broadcast_in_dim3A_26 = vector.shape_cast %broadcast_in_dim3A_25 : vector<512x1xf32> to vector<512x1xf32>
    %broadcast_in_dim3A_27 = vector.broadcast %broadcast_in_dim3A_26 : vector<512x1xf32> to vector<512x128xf32>
    %swap3A = arith.constant 0 : index
    %swap3A_28 = arith.constant 0 : index
    %swap3A_29 = vector.load %arg5[%swap3A, %swap3A_28] : memref<512x128xf32, #tpu.memory_space<vmem>>, vector<512x128xf32>
    tpu.vector_store %arg5[%swap3A, %swap3A_28], %broadcast_in_dim3A_27 {strides = array<i32>} : memref<512x128xf32, #tpu.memory_space<vmem>>, vector<512x128xf32>,
    %broadcast_in_dim3A_30 = arith.constant 1.000000e+00 : f32
    %broadcast_in_dim3A_31 = vector.broadcast %broadcast_in_dim3A_30 : f32 to vector<1x512xf32>
    %eq3A_32 = arith.constant 0 : i32
    %eq3A_33 = arith.cmpi eq, %arg0, %eq3A_32 : i32
    %convert_element_type3A_34 = arith.extui %eq3A_33 : i1 to i32
    %cond3A_35 = arith.constant 0 : i32
    %cond3A_36 = arith.cmpi ne, %convert_element_type3A_34, %cond3A_35 : i32
    scf.if %cond3A_36 {
      %get3A_58 = arith.constant 0 : index
      %get3A_59 = arith.constant 0 : index
      %get3A_60 = vector.load %arg9[%get3A_58, %get3A_59] : memref<8x128xf32, #tpu.memory_space<vmem>>, vector<1x128xf32>
      %dot_general3A_61 = arith.constant dense<0.000000e+00> : vector<1x128xf32>
      %dot_general3A_62 = tpu.matmul %broadcast_in_dim3A_31, %convert_element_type3A_24, %dot_general3A_61 {dimension_numbers = #tpu.dot_dimension_numbers<[1], [0], [0], [1], [0, 0, 1, 1], [], []>, transpose_lhs_hint = false} : vector<1x512xf32>, vector<512x128xf32>, vector<1x128xf32> -> vector<1x128xf32>
      %add3A = arith.addf %get3A_60, %dot_general3A_62 : vector<1x128xf32>
      %swap3A_63 = arith.constant 0 : index
      %swap3A_64 = arith.constant 0 : index
      %swap3A_65 = vector.load %arg9[%swap3A_63, %swap3A_64] : memref<8x128xf32, #tpu.memory_space<vmem>>, vector<1x128xf32>
      tpu.vector_store %arg9[%swap3A_63, %swap3A_64], %add3A {strides = array<i32>} : memref<8x128xf32, #tpu.memory_space<vmem>>, vector<1x128xf32>,
    } else {
    }
    %eq3A_37 = arith.constant 0 : i32
    %eq3A_38 = arith.cmpi eq, %arg0, %eq3A_37 : i32
    %eq3A_39 = arith.constant 7 : i32
    %eq3A_40 = arith.cmpi eq, %arg1, %eq3A_39 : i32
    %and3A_41 = arith.andi %eq3A_38, %eq3A_40 : i1
    %convert_element_type3A_42 = arith.extui %and3A_41 : i1 to i32
    %cond3A_43 = arith.constant 0 : i32
    %cond3A_44 = arith.cmpi ne, %convert_element_type3A_42, %cond3A_43 : i32
    scf.if %cond3A_44 {
      %iota3A_58 = tpu.iota {dimensions = array<i32: 0>} : vector<128x128xi32>
      %iota3A_59 = tpu.iota {dimensions = array<i32: 1>} : vector<128x128xi32>
      %lt3A = arith.cmpi slt, %iota3A_58, %iota3A_59 : vector<128x128xi32>
      %convert_element_type3A_60 = arith.extui %lt3A : vector<128x128xi1> to vector<128x128xi32>
      %convert_element_type3A_61 = arith.sitofp %convert_element_type3A_60 : vector<128x128xi32> to vector<128x128xf32>
      %get3A_62 = arith.constant 0 : index
      %get3A_63 = arith.constant 0 : index
      %get3A_64 = vector.load %arg9[%get3A_62, %get3A_63] : memref<8x128xf32, #tpu.memory_space<vmem>>, vector<1x128xf32>
      %dot_general3A_65 = arith.constant dense<0.000000e+00> : vector<1x128xf32>
      %dot_general3A_66 = tpu.matmul %get3A_64, %convert_element_type3A_61, %dot_general3A_65 {dimension_numbers = #tpu.dot_dimension_numbers<[1], [0], [0], [1], [0, 0, 1, 1], [], []>, precision = #tpu.contract_precision<fp32>, transpose_lhs_hint = false} : vector<1x128xf32>, vector<128x128xf32>, vector<1x128xf32> -> vector<1x128xf32>
      %swap3A_67 = arith.constant 0 : index
      %swap3A_68 = arith.constant 0 : index
      %swap3A_69 = vector.load %arg11[%swap3A_67, %swap3A_68] : memref<8x128xf32, #tpu.memory_space<vmem>>, vector<1x128xf32>
      tpu.vector_store %arg11[%swap3A_67, %swap3A_68], %dot_general3A_66 {strides = array<i32>} : memref<8x128xf32, #tpu.memory_space<vmem>>, vector<1x128xf32>,
      %convert_element_type3A_70 = arith.fptosi %dot_general3A_66 : vector<1x128xf32> to vector<1x128xi32>
      %swap3A_71 = arith.constant 0 : index
      %swap3A_72 = arith.constant 0 : index
      %swap3A_73 = vector.load %arg6[%swap3A_71, %swap3A_72] : memref<1x128xi32, #tpu.memory_space<vmem>>, vector<1x128xi32>
      tpu.vector_store %arg6[%swap3A_71, %swap3A_72], %convert_element_type3A_70 {strides = array<i32>} : memref<1x128xi32, #tpu.memory_space<vmem>>, vector<1x128xi32>,
      %convert_element_type3A_74 = arith.fptosi %dot_general3A_66 : vector<1x128xf32> to vector<1x128xi32>
      %add3A = arith.addf %dot_general3A_66, %get3A_64 : vector<1x128xf32>
      %convert_element_type3A_75 = arith.fptosi %add3A : vector<1x128xf32> to vector<1x128xi32>
      %jit3A_76 = arith.constant 256 : i32
      %div3A_77 = vector.broadcast %jit3A_76 : i32 to vector<1x128xi32>
      %div3A_78 = arith.divsi %convert_element_type3A_74, %div3A_77 : vector<1x128xi32>
      %sign3A = arith.constant 0 : i32
      %sign3A_79 = vector.broadcast %sign3A : i32 to vector<1x128xi32>
      %sign3A_80 = arith.cmpi sgt, %convert_element_type3A_74, %sign3A_79 : vector<1x128xi32>
      %sign3A_81 = arith.extui %sign3A_80 : vector<1x128xi1> to vector<1x128xi32>
      %sign3A_82 = arith.constant 0 : i32
      %sign3A_83 = vector.broadcast %sign3A_82 : i32 to vector<1x128xi32>
      %sign3A_84 = arith.cmpi slt, %convert_element_type3A_74, %sign3A_83 : vector<1x128xi32>
      %sign3A_85 = arith.extui %sign3A_84 : vector<1x128xi1> to vector<1x128xi32>
      %sign3A_86 = arith.subi %sign3A_81, %sign3A_85 : vector<1x128xi32>
      %sign3A_87 = arith.constant 0 : i32
      %sign3A_88 = arith.cmpi sgt, %jit3A_76, %sign3A_87 : i32
      %sign3A_89 = arith.extui %sign3A_88 : i1 to i32
      %sign3A_90 = arith.constant 0 : i32
      %sign3A_91 = arith.cmpi slt, %jit3A_76, %sign3A_90 : i32
      %sign3A_92 = arith.extui %sign3A_91 : i1 to i32
      %sign3A_93 = arith.subi %sign3A_89, %sign3A_92 : i32
      %ne3A = vector.broadcast %sign3A_93 : i32 to vector<1x128xi32>
      %ne3A_94 = arith.cmpi ne, %sign3A_86, %ne3A : vector<1x128xi32>
      %rem3A = vector.broadcast %jit3A_76 : i32 to vector<1x128xi32>
      %rem3A_95 = arith.remsi %convert_element_type3A_74, %rem3A : vector<1x128xi32>
      %ne3A_96 = arith.constant 0 : i32
      %ne3A_97 = vector.broadcast %ne3A_96 : i32 to vector<1x128xi32>
      %ne3A_98 = arith.cmpi ne, %rem3A_95, %ne3A_97 : vector<1x128xi32>
      %and3A_99 = arith.andi %ne3A_94, %ne3A_98 : vector<1x128xi1>
      %sub3A_100 = arith.constant 1 : i32
      %sub3A_101 = vector.broadcast %sub3A_100 : i32 to vector<1x128xi32>
      %sub3A_102 = arith.subi %div3A_78, %sub3A_101 : vector<1x128xi32>
      %select_n3A_103 = arith.select %and3A_99, %sub3A_102, %div3A_78 : vector<1x128xi1>, vector<1x128xi32>
      %gt3A = arith.constant 0.000000e+00 : f32
      %gt3A_104 = vector.broadcast %gt3A : f32 to vector<1x128xf32>
      %gt3A_105 = arith.cmpf ogt, %get3A_64, %gt3A_104 : vector<1x128xf32>
      %add3A_106 = arith.constant 256 : i32
      %add3A_107 = vector.broadcast %add3A_106 : i32 to vector<1x128xi32>
      %add3A_108 = arith.addi %convert_element_type3A_75, %add3A_107 : vector<1x128xi32>
      %sub3A_109 = arith.constant 1 : i32
      %sub3A_110 = vector.broadcast %sub3A_109 : i32 to vector<1x128xi32>
      %sub3A_111 = arith.subi %add3A_108, %sub3A_110 : vector<1x128xi32>
      %jit3A_112 = arith.constant 256 : i32
      %div3A_113 = vector.broadcast %jit3A_112 : i32 to vector<1x128xi32>
      %div3A_114 = arith.divsi %sub3A_111, %div3A_113 : vector<1x128xi32>
      %sign3A_115 = arith.constant 0 : i32
      %sign3A_116 = vector.broadcast %sign3A_115 : i32 to vector<1x128xi32>
      %sign3A_117 = arith.cmpi sgt, %sub3A_111, %sign3A_116 : vector<1x128xi32>
      %sign3A_118 = arith.extui %sign3A_117 : vector<1x128xi1> to vector<1x128xi32>
      %sign3A_119 = arith.constant 0 : i32
      %sign3A_120 = vector.broadcast %sign3A_119 : i32 to vector<1x128xi32>
      %sign3A_121 = arith.cmpi slt, %sub3A_111, %sign3A_120 : vector<1x128xi32>
      %sign3A_122 = arith.extui %sign3A_121 : vector<1x128xi1> to vector<1x128xi32>
      %sign3A_123 = arith.subi %sign3A_118, %sign3A_122 : vector<1x128xi32>
      %sign3A_124 = arith.constant 0 : i32
      %sign3A_125 = arith.cmpi sgt, %jit3A_112, %sign3A_124 : i32
      %sign3A_126 = arith.extui %sign3A_125 : i1 to i32
      %sign3A_127 = arith.constant 0 : i32
      %sign3A_128 = arith.cmpi slt, %jit3A_112, %sign3A_127 : i32
      %sign3A_129 = arith.extui %sign3A_128 : i1 to i32
      %sign3A_130 = arith.subi %sign3A_126, %sign3A_129 : i32
      %ne3A_131 = vector.broadcast %sign3A_130 : i32 to vector<1x128xi32>
      %ne3A_132 = arith.cmpi ne, %sign3A_123, %ne3A_131 : vector<1x128xi32>
      %rem3A_133 = vector.broadcast %jit3A_112 : i32 to vector<1x128xi32>
      %rem3A_134 = arith.remsi %sub3A_111, %rem3A_133 : vector<1x128xi32>
      %ne3A_135 = arith.constant 0 : i32
      %ne3A_136 = vector.broadcast %ne3A_135 : i32 to vector<1x128xi32>
      %ne3A_137 = arith.cmpi ne, %rem3A_134, %ne3A_136 : vector<1x128xi32>
      %and3A_138 = arith.andi %ne3A_132, %ne3A_137 : vector<1x128xi1>
      %sub3A_139 = arith.constant 1 : i32
      %sub3A_140 = vector.broadcast %sub3A_139 : i32 to vector<1x128xi32>
      %sub3A_141 = arith.subi %div3A_114, %sub3A_140 : vector<1x128xi32>
      %select_n3A_142 = arith.select %and3A_138, %sub3A_141, %div3A_114 : vector<1x128xi1>, vector<1x128xi32>
      %sub3A_143 = arith.subi %select_n3A_142, %select_n3A_103 : vector<1x128xi32>
      %jit3A_144 = arith.constant 0 : i32
      %broadcast_in_dim3A_145 = vector.broadcast %jit3A_144 : i32 to vector<1x128xi32>
      %select_n3A_146 = arith.select %gt3A_105, %sub3A_143, %broadcast_in_dim3A_145 : vector<1x128xi1>, vector<1x128xi32>
      %convert_element_type3A_147 = arith.sitofp %select_n3A_146 : vector<1x128xi32> to vector<1x128xf32>
      %dot_general3A_148 = arith.constant dense<0.000000e+00> : vector<1x128xf32>
      %dot_general3A_149 = tpu.matmul %convert_element_type3A_147, %convert_element_type3A_61, %dot_general3A_148 {dimension_numbers = #tpu.dot_dimension_numbers<[1], [0], [0], [1], [0, 0, 1, 1], [], []>, precision = #tpu.contract_precision<fp32>, transpose_lhs_hint = false} : vector<1x128xf32>, vector<128x128xf32>, vector<1x128xf32> -> vector<1x128xf32>
      %eq3A_150 = arith.cmpi eq, %iota3A_58, %iota3A_59 : vector<128x128xi32>
      %convert_element_type3A_151 = arith.extui %eq3A_150 : vector<128x128xi1> to vector<128x128xi32>
      %convert_element_type3A_152 = arith.sitofp %convert_element_type3A_151 : vector<128x128xi32> to vector<128x128xf32>
      %broadcast_in_dim3A_153 = vector.shape_cast %dot_general3A_149 : vector<1x128xf32> to vector<1x128xf32>
      %broadcast_in_dim3A_154 = vector.broadcast %broadcast_in_dim3A_153 : vector<1x128xf32> to vector<128x128xf32>
      %mul3A = arith.mulf %broadcast_in_dim3A_154, %convert_element_type3A_152 : vector<128x128xf32>
      %reduce_sum3A_155 = arith.constant dense<0.000000e+00> : vector<128xf32>
      %reduce_sum3A_156 = vector.multi_reduction <add>, %mul3A, %reduce_sum3A_155 [1] : vector<128x128xf32> to vector<128xf32>
      %broadcast_in_dim3A_157 = vector.shape_cast %reduce_sum3A_156 : vector<128xf32> to vector<128x1xf32>
      %broadcast_in_dim3A_158 = vector.shape_cast %convert_element_type3A_147 : vector<1x128xf32> to vector<1x128xf32>
      %broadcast_in_dim3A_159 = vector.broadcast %broadcast_in_dim3A_158 : vector<1x128xf32> to vector<128x128xf32>
      %mul3A_160 = arith.mulf %broadcast_in_dim3A_159, %convert_element_type3A_152 : vector<128x128xf32>
      %reduce_sum3A_161 = arith.constant dense<0.000000e+00> : vector<128xf32>
      %reduce_sum3A_162 = vector.multi_reduction <add>, %mul3A_160, %reduce_sum3A_161 [1] : vector<128x128xf32> to vector<128xf32>
      %broadcast_in_dim3A_163 = vector.shape_cast %reduce_sum3A_162 : vector<128xf32> to vector<128x1xf32>
      %convert_element_type3A_164 = arith.sitofp %select_n3A_103 : vector<1x128xi32> to vector<1x128xf32>
      %broadcast_in_dim3A_165 = vector.shape_cast %convert_element_type3A_164 : vector<1x128xf32> to vector<1x128xf32>
      %broadcast_in_dim3A_166 = vector.broadcast %broadcast_in_dim3A_165 : vector<1x128xf32> to vector<128x128xf32>
      %mul3A_167 = arith.mulf %broadcast_in_dim3A_166, %convert_element_type3A_152 : vector<128x128xf32>
      %reduce_sum3A_168 = arith.constant dense<0.000000e+00> : vector<128xf32>
      %reduce_sum3A_169 = vector.multi_reduction <add>, %mul3A_167, %reduce_sum3A_168 [1] : vector<128x128xf32> to vector<128xf32>
      %broadcast_in_dim3A_170 = vector.shape_cast %reduce_sum3A_169 : vector<128xf32> to vector<128x1xf32>
      %convert_element_type3A_171 = arith.sitofp %iota3A_59 : vector<128x128xi32> to vector<128x128xf32>
      %gt3A_172 = arith.constant 0.000000e+00 : f32
      %gt3A_173 = vector.broadcast %gt3A_172 : f32 to vector<128x1xf32>
      %gt3A_174 = arith.cmpf ogt, %broadcast_in_dim3A_163, %gt3A_173 : vector<128x1xf32>
      %le3A = vector.broadcast %broadcast_in_dim3A_157 : vector<128x1xf32> to vector<128x128xf32>
      %le3A_175 = arith.cmpf ole, %le3A, %convert_element_type3A_171 : vector<128x128xf32>
      %and3A_176 = vector.broadcast %gt3A_174 : vector<128x1xi1> to vector<128x128xi1>
      %and3A_177 = arith.andi %and3A_176, %le3A_175 : vector<128x128xi1>
      %jit3A_178 = arith.constant -1 : i32
      %broadcast_in_dim3A_179 = vector.broadcast %jit3A_178 : i32 to vector<128x128xi32>
      %select_n3A_180 = arith.select %and3A_177, %iota3A_58, %broadcast_in_dim3A_179 : vector<128x128xi1>, vector<128x128xi32>
      %reduce_max3A_181 = arith.constant dense<-2147483648> : vector<128xi32>
      %reduce_max3A_182 = vector.multi_reduction <maxsi>, %select_n3A_180, %reduce_max3A_181 [0] : vector<128x128xi32> to vector<128xi32>
      %broadcast_in_dim3A_183 = vector.shape_cast %reduce_max3A_182 : vector<128xi32> to vector<1x128xi32>
      %broadcast_in_dim3A_184 = vector.shape_cast %broadcast_in_dim3A_183 : vector<1x128xi32> to vector<1x128xi32>
      %broadcast_in_dim3A_185 = vector.broadcast %broadcast_in_dim3A_184 : vector<1x128xi32> to vector<128x128xi32>
      %eq3A_186 = arith.cmpi eq, %iota3A_58, %broadcast_in_dim3A_185 : vector<128x128xi32>
      %convert_element_type3A_187 = arith.extui %eq3A_186 : vector<128x128xi1> to vector<128x128xi32>
      %convert_element_type3A_188 = arith.sitofp %convert_element_type3A_187 : vector<128x128xi32> to vector<128x128xf32>
      %broadcast_in_dim3A_189 = vector.shape_cast %broadcast_in_dim3A_170 : vector<128x1xf32> to vector<128x1xf32>
      %broadcast_in_dim3A_190 = vector.broadcast %broadcast_in_dim3A_189 : vector<128x1xf32> to vector<128x128xf32>
      %mul3A_191 = arith.mulf %convert_element_type3A_188, %broadcast_in_dim3A_190 : vector<128x128xf32>
      %reduce_sum3A_192 = arith.constant dense<0.000000e+00> : vector<128xf32>
      %reduce_sum3A_193 = vector.multi_reduction <add>, %mul3A_191, %reduce_sum3A_192 [0] : vector<128x128xf32> to vector<128xf32>
      %broadcast_in_dim3A_194 = vector.shape_cast %reduce_sum3A_193 : vector<128xf32> to vector<1x128xf32>
      %broadcast_in_dim3A_195 = vector.shape_cast %broadcast_in_dim3A_157 : vector<128x1xf32> to vector<128x1xf32>
      %broadcast_in_dim3A_196 = vector.broadcast %broadcast_in_dim3A_195 : vector<128x1xf32> to vector<128x128xf32>
      %mul3A_197 = arith.mulf %convert_element_type3A_188, %broadcast_in_dim3A_196 : vector<128x128xf32>
      %reduce_sum3A_198 = arith.constant dense<0.000000e+00> : vector<128xf32>
      %reduce_sum3A_199 = vector.multi_reduction <add>, %mul3A_197, %reduce_sum3A_198 [0] : vector<128x128xf32> to vector<128xf32>
      %broadcast_in_dim3A_200 = vector.shape_cast %reduce_sum3A_199 : vector<128xf32> to vector<1x128xf32>
      %broadcast_in_dim3A_201 = vector.shape_cast %broadcast_in_dim3A_163 : vector<128x1xf32> to vector<128x1xf32>
      %broadcast_in_dim3A_202 = vector.broadcast %broadcast_in_dim3A_201 : vector<128x1xf32> to vector<128x128xf32>
      %mul3A_203 = arith.mulf %convert_element_type3A_188, %broadcast_in_dim3A_202 : vector<128x128xf32>
      %reduce_sum3A_204 = arith.constant dense<0.000000e+00> : vector<128xf32>
      %reduce_sum3A_205 = vector.multi_reduction <add>, %mul3A_203, %reduce_sum3A_204 [0] : vector<128x128xf32> to vector<128xf32>
      %broadcast_in_dim3A_206 = vector.shape_cast %reduce_sum3A_205 : vector<128xf32> to vector<1x128xf32>
      %iota3A_207 = tpu.iota {dimensions = array<i32: 1>} : vector<1x128xi32>
      %convert_element_type3A_208 = arith.sitofp %iota3A_207 : vector<1x128xi32> to vector<1x128xf32>
      %sub3A_209 = arith.subf %convert_element_type3A_208, %broadcast_in_dim3A_200 : vector<1x128xf32>
      %add3A_210 = arith.addf %broadcast_in_dim3A_194, %sub3A_209 : vector<1x128xf32>
      %add3A_211 = arith.addf %broadcast_in_dim3A_194, %broadcast_in_dim3A_206 : vector<1x128xf32>
      %sub3A_212 = arith.constant 1.000000e+00 : f32
      %sub3A_213 = vector.broadcast %sub3A_212 : f32 to vector<1x128xf32>
      %sub3A_214 = arith.subf %add3A_211, %sub3A_213 : vector<1x128xf32>
      %min3A = arith.minimumf %add3A_210, %sub3A_214 : vector<1x128xf32>
      %convert_element_type3A_215 = arith.fptosi %min3A : vector<1x128xf32> to vector<1x128xi32>
      %swap3A_216 = arith.constant 0 : index
      %swap3A_217 = arith.constant 0 : index
      %swap3A_218 = vector.load %arg7[%swap3A_216, %swap3A_217] : memref<1x128xi32, #tpu.memory_space<vmem>>, vector<1x128xi32>
      tpu.vector_store %arg7[%swap3A_216, %swap3A_217], %convert_element_type3A_215 {strides = array<i32>} : memref<1x128xi32, #tpu.memory_space<vmem>>, vector<1x128xi32>,
      %swap3A_219 = arith.constant 0 : index
      %swap3A_220 = arith.constant 0 : index
      %swap3A_221 = vector.load %arg8[%swap3A_219, %swap3A_220] : memref<1x128xi32, #tpu.memory_space<vmem>>, vector<1x128xi32>
      tpu.vector_store %arg8[%swap3A_219, %swap3A_220], %broadcast_in_dim3A_183 {strides = array<i32>} : memref<1x128xi32, #tpu.memory_space<vmem>>, vector<1x128xi32>,
    } else {
    }
    %eq3A_45 = arith.constant 1 : i32
    %eq3A_46 = arith.cmpi eq, %arg0, %eq3A_45 : i32
    %eq3A_47 = arith.constant 0 : i32
    %eq3A_48 = arith.cmpi eq, %arg1, %eq3A_47 : i32
    %and3A_49 = arith.andi %eq3A_46, %eq3A_48 : i1
    %convert_element_type3A_50 = arith.extui %and3A_49 : i1 to i32
    %cond3A_51 = arith.constant 0 : i32
    %cond3A_52 = arith.cmpi ne, %convert_element_type3A_50, %cond3A_51 : i32
    scf.if %cond3A_52 {
      %broadcast_in_dim3A_58 = arith.constant 0.000000e+00 : f32
      %broadcast_in_dim3A_59 = vector.broadcast %broadcast_in_dim3A_58 : f32 to vector<8x128xf32>
      %swap3A_60 = arith.constant 0 : index
      %swap3A_61 = arith.constant 0 : index
      %swap3A_62 = vector.load %arg10[%swap3A_60, %swap3A_61] : memref<8x128xf32, #tpu.memory_space<vmem>>, vector<8x128xf32>
      tpu.vector_store %arg10[%swap3A_60, %swap3A_61], %broadcast_in_dim3A_59 {strides = array<i32>} : memref<8x128xf32, #tpu.memory_space<vmem>>, vector<8x128xf32>,
      %iota3A_63 = tpu.iota {dimensions = array<i32: 0>} : vector<512x512xi32>
      %iota3A_64 = tpu.iota {dimensions = array<i32: 1>} : vector<512x512xi32>
      %lt3A = arith.cmpi slt, %iota3A_64, %iota3A_63 : vector<512x512xi32>
      %convert_element_type3A_65 = arith.extui %lt3A : vector<512x512xi1> to vector<512x512xi32>
      %convert_element_type3A_66 = arith.sitofp %convert_element_type3A_65 : vector<512x512xi32> to vector<512x512xf32>
      %swap3A_67 = arith.constant 0 : index
      %swap3A_68 = arith.constant 0 : index
      %swap3A_69 = vector.load %arg12[%swap3A_67, %swap3A_68] : memref<512x512xf32, #tpu.memory_space<vmem>>, vector<512x512xf32>
      tpu.vector_store %arg12[%swap3A_67, %swap3A_68], %convert_element_type3A_66 {strides = array<i32>} : memref<512x512xf32, #tpu.memory_space<vmem>>, vector<512x512xf32>,
    } else {
    }
    %eq3A_53 = arith.constant 1 : i32
    %eq3A_54 = arith.cmpi eq, %arg0, %eq3A_53 : i32
    %convert_element_type3A_55 = arith.extui %eq3A_54 : i1 to i32
    %cond3A_56 = arith.constant 0 : i32
    %cond3A_57 = arith.cmpi ne, %convert_element_type3A_55, %cond3A_56 : i32
    scf.if %cond3A_57 {
      %get3A_58 = arith.constant 0 : index
      %get3A_59 = arith.constant 0 : index
      %get3A_60 = vector.load %arg12[%get3A_58, %get3A_59] : memref<512x512xf32, #tpu.memory_space<vmem>>, vector<512x512xf32>
      %dot_general3A_61 = arith.constant dense<0.000000e+00> : vector<512x128xf32>
      %dot_general3A_62 = tpu.matmul %get3A_60, %convert_element_type3A_24, %dot_general3A_61 {dimension_numbers = #tpu.dot_dimension_numbers<[1], [0], [0], [1], [0, 0, 1, 1], [], []>, transpose_lhs_hint = false} : vector<512x512xf32>, vector<512x128xf32>, vector<512x128xf32> -> vector<512x128xf32>
      %get3A_63 = arith.constant 0 : index
      %get3A_64 = arith.constant 0 : index
      %get3A_65 = vector.load %arg10[%get3A_63, %get3A_64] : memref<8x128xf32, #tpu.memory_space<vmem>>, vector<1x128xf32>
      %add3A = vector.broadcast %get3A_65 : vector<1x128xf32> to vector<512x128xf32>
      %add3A_66 = arith.addf %dot_general3A_62, %add3A : vector<512x128xf32>
      %get3A_67 = arith.constant 0 : index
      %get3A_68 = arith.constant 0 : index
      %get3A_69 = vector.load %arg11[%get3A_67, %get3A_68] : memref<8x128xf32, #tpu.memory_space<vmem>>, vector<1x128xf32>
      %add3A_70 = vector.broadcast %get3A_69 : vector<1x128xf32> to vector<512x128xf32>
      %add3A_71 = arith.addf %add3A_66, %add3A_70 : vector<512x128xf32>
      %mul3A = arith.mulf %add3A_71, %convert_element_type3A_24 : vector<512x128xf32>
      %reduce_sum3A_72 = arith.constant dense<0.000000e+00> : vector<512xf32>
      %reduce_sum3A_73 = vector.multi_reduction <add>, %mul3A, %reduce_sum3A_72 [1] : vector<512x128xf32> to vector<512xf32>
      %get3A_74 = arith.constant 0 : index
      %get3A_75 = arith.constant 0 : index
      %get3A_76 = vector.load %arg10[%get3A_74, %get3A_75] : memref<8x128xf32, #tpu.memory_space<vmem>>, vector<1x128xf32>
      %dot_general3A_77 = arith.constant dense<0.000000e+00> : vector<1x128xf32>
      %dot_general3A_78 = tpu.matmul %broadcast_in_dim3A_31, %convert_element_type3A_24, %dot_general3A_77 {dimension_numbers = #tpu.dot_dimension_numbers<[1], [0], [0], [1], [0, 0, 1, 1], [], []>, transpose_lhs_hint = false} : vector<1x512xf32>, vector<512x128xf32>, vector<1x128xf32> -> vector<1x128xf32>
      %add3A_79 = arith.addf %get3A_76, %dot_general3A_78 : vector<1x128xf32>
      %swap3A_80 = arith.constant 0 : index
      %swap3A_81 = arith.constant 0 : index
      %swap3A_82 = vector.load %arg10[%swap3A_80, %swap3A_81] : memref<8x128xf32, #tpu.memory_space<vmem>>, vector<1x128xf32>
      tpu.vector_store %arg10[%swap3A_80, %swap3A_81], %add3A_79 {strides = array<i32>} : memref<8x128xf32, #tpu.memory_space<vmem>>, vector<1x128xf32>,
      %convert_element_type3A_83 = arith.fptosi %reduce_sum3A_73 : vector<512xf32> to vector<512xi32>
      %reshape3A = vector.shape_cast %convert_element_type3A_83 : vector<512xi32> to vector<1x1x512xi32>
      %swap3A_84 = arith.constant 0 : index
      %swap3A_85 = arith.constant 0 : index
      %swap3A_86 = arith.constant 0 : index
      %swap3A_87 = vector.load %arg4[%swap3A_84, %swap3A_85, %swap3A_86] : memref<1x1x512xi32, #tpu.memory_space<vmem>>, vector<1x1x512xi32>
      tpu.vector_store %arg4[%swap3A_84, %swap3A_85, %swap3A_86], %reshape3A {strides = array<i32>} : memref<1x1x512xi32, #tpu.memory_space<vmem>>, vector<1x1x512xi32>,
    } else {
    }
    return
  }
  func.func @transform_0(%arg0: i32, %arg1: i32) -> (i32, i32) {
    %c0_i32 = arith.constant 0 : i32
    %c0_i32_0 = arith.constant 0 : i32
    return %arg1, %c0_i32 : i32, i32
  }
  func.func @transform_1(%arg0: i32, %arg1: i32) -> (i32, i32) {
    %c0_i32 = arith.constant 0 : i32
    %c0_i32_0 = arith.constant 0 : i32
    %c0_i32_1 = arith.constant 0 : i32
    return %c0_i32, %c0_i32_0 : i32, i32
  }
  func.func @transform_2(%arg0: i32, %arg1: i32) -> (i32, i32, i32) {
    %c0_i32 = arith.constant 0 : i32
    %c0_i32_0 = arith.constant 0 : i32
    %c0_i32_1 = arith.constant 0 : i32
    return %arg1, %c0_i32, %c0_i32_0 : i32, i32, i32
  }
  func.func @transform_3(%arg0: i32, %arg1: i32) -> (i32, i32) {
    %c0_i32 = arith.constant 0 : i32
    %c0_i32_0 = arith.constant 0 : i32
    return %arg1, %c0_i32 : i32, i32
  }
  func.func @transform_4(%arg0: i32, %arg1: i32) -> (i32, i32) {
    %c0_i32 = arith.constant 0 : i32
    %c0_i32_0 = arith.constant 0 : i32
    %c0_i32_1 = arith.constant 0 : i32
    return %c0_i32, %c0_i32_0 : i32, i32
  }
  func.func @transform_5(%arg0: i32, %arg1: i32) -> (i32, i32) {
    %c0_i32 = arith.constant 0 : i32
    %c0_i32_0 = arith.constant 0 : i32
    %c0_i32_1 = arith.constant 0 : i32
    return %c0_i32, %c0_i32_0 : i32, i32
  }
  func.func @transform_6(%arg0: i32, %arg1: i32) -> (i32, i32) {
    %c0_i32 = arith.constant 0 : i32
    %c0_i32_0 = arith.constant 0 : i32
    %c0_i32_1 = arith.constant 0 : i32
    return %c0_i32, %c0_i32_0 : i32, i32
  }
}

</mosaic_0001>

<sc_bundles>
// kernel: kernel.6.cloned.1.call-start
scs
__scs_entry_jumppad:
0x0: {  	(pc) =	sbr.rel $0x88, $3  }
0x1: {  	(tag) =	ssettag $0x0;
	lr =	simm.s32 $0x1  }
0x2: {  	[smem:$0x3F9B] =	sst lr;
	_ =	strace $0xD0000000  }
0x3: {  	_ = 	snop  }
0x4: {  	_ = 	snop  }
0x5: {  	_ = 	snop  }
0x6: {  	_ = 	snop  }
0x7: {  	_ = 	snop  }
__scs_overlays_trampoline_lowered:
0x8: {  	[smem:$0x3FAA] =	sst s0  }
0x9: {  	[smem:$0x3FAB] =	sst s1  }
0xa: {  	[smem:$0x3FAC] =	sst s2  }
0xb: {  	[smem:$0x3FAD] =	sst s3  }
0xc: {  	[smem:$0x3FAE] =	sst s4  }
0xd: {  	[smem:$0x3FAF] =	sst s5  }
0xe: {  	[smem:$0x3FB0] =	sst s6  }
0xf: {  	[smem:$0x3FB1] =	sst s7  }
0x10: {  	[smem:$0x3FB2] =	sst s8  }
0x11: {  	[smem:$0x3FB3] =	sst s9;
	s0 =	simm.s32 @!p0 $0x0  }
0x12: {  	s1 =	sld [smem:$0x3F99];
	s0 =	simm.s32 @p0 $0x1  }
0x13: {  	[smem:$0x3FB4] =	sst s0;
	s0 =	simm.s32 @!p1 $0x0  }
0x14: {  	s2 =	sld [smem:$0x3F98];
	s0 =	simm.s32 @p1 $0x1  }
0x15: {  	[smem:$0x3FB5] =	sst s0;
	s0 =	simm.s32 @!p2 $0x0  }
0x16: {  	s3 =	sld [smem:$0x3FDB];
	s0 =	simm.s32 @p2 $0x1  }
0x17: {  	s4 =	simm.s32 $0x1BF5;
	[smem:$0x3FB7] =	sst s0  }
0x18: {  	s0 =	sld [smem:$0x3F9A];
	_ =	swait.ge [sflag:s4], $0x0  }
0x19: {  	s7 =	sld [smem:$0x3F9B]  }
0x1a: {  	s8 =	sadd.s32 $0xFFFFE003, lr  }
0x1b: {  	s9 =	sadd.s32 $0xFFFFFEF7, lr;
	s5 =	simm.s32 $0xFFFFFFFF;
	p2 =	slt.u32 s8, $0xFFFFF086  }
0x1c: {  	p1 =	slt.u32 s9, $0xF7A;
	s5 =	simm.s32 @!p2 $0x0  }
0x1d: {  	s5 =	simm.s32 @p1 $0x1;
	p0 =	seq.s32 s7, s2  }
0x1e: {  	s7 =	smul.u32 @!p0 $0xF7A, s2;
	p2 =	seq.s32 @!p0 s5, $0x0  }
0x1f: {  	s9 =	smul.u32 $0xF7A, s1;
	s8 =	simm.s32 @!p0 $0x1BF5;
	p2 =	por !p2, p0  }
0x20: {  	[sflag:s8] =	ssyncset.s32 @!p0 $0xFFFFF086;
	s6 =	sadd.s32 @!p0 s3, s7;
	s7 =	simm.s32 @!p0 $0x108  }
0x21: {  	s3 =	sadd.s32 s3, s9;
	s6 =	sadd.s32 @!p0 $0x88, s6;
	s7 =	simm.s32 @p2 $0x1082  }
0x22: {  	[simem:s7], [sflag:s8] =	dma.local @!p0 [hbm:s6], $0xF7A  }
0x23: {  	s9 =	sor.u32 $0xD0000000, s2;
	s6 =	simm.s32 $0x108;
	_ =	swait.ge @!p0 [sflag:s8], $0x0  }
0x24: {  	s3 =	sadd.s32 $0x88, s3;
	s6 =	simm.s32 @!p1 $0x1082;
	[sflag:s4] =	ssyncset.s32 $0xFFFFF086  }
0x25: {  	[simem:s6], [sflag:s4] =	dma.local [hbm:s3], $0xF7A  }
0x26: {  	[smem:$0x3F9B] =	sst s1;
	(tag) =	ssettag s2;
	_ =	strace s9  }
0x27: {  	s1 =	sld [smem:$0x3FAB]  }
0x28: {  	s2 =	sld [smem:$0x3FAC]  }
0x29: {  	s4 =	sld [smem:$0x3FAE]  }
0x2a: {  	p0 =	seq.s32 s5, $0x0;
	s5 =	sld [smem:$0x3FAF]  }
0x2b: {  	s6 =	sld [smem:$0x3FB0]  }
0x2c: {  	s7 =	sld [smem:$0x3FB1]  }
0x2d: {  	s3 =	simm.s32 $0x108;
	s8 =	sld [smem:$0x3FB2]  }
0x2e: {  	s3 =	simm.s32 @!p0 $0x1082;
	s9 =	sld [smem:$0x3FB3]  }
0x2f: {  	lr =	sadd.s32 s0, s3;
	s0 =	sld [smem:$0x3FAA]  }
0x30: {  	s3 =	sld [smem:$0x3FAD]  }
0x31: {  	[smem:$0x3FB6] =	sst s10  }
0x32: {  	s10 =	sld [smem:$0x3FB4];
	_ =	sdelay $0x3  }
0x33: {  	p0 =	seq.s32 s10, $0x1;
	s10 =	sld [smem:$0x3FB6];
	_ =	sdelay $0x3  }
0x34: {  	[smem:$0x3FB6] =	sst s10  }
0x35: {  	s10 =	sld [smem:$0x3FB5];
	_ =	sdelay $0x3  }
0x36: {  	p1 =	seq.s32 s10, $0x1;
	s10 =	sld [smem:$0x3FB6];
	_ =	sdelay $0x3  }
0x37: {  	[smem:$0x3FB6] =	sst s10  }
0x38: {  	s10 =	sld [smem:$0x3FB7]  }
0x39: {  	_ = 	snop;
	(pc) =	sbr.ind lr, $3  }
0x3a: {  	_ = 	snop  }
0x3b: {  	_ = 	snop  }
0x3c: {  	p2 =	seq.s32 s10, $0x1;
	s10 =	sld [smem:$0x3FB6]  }
0x3d: {  	_ =	shalt  }
0x3e: {  	_ =	shalt  }
0x3f: {  	_ =	shalt  }
0x40: {  	_ =	shalt  }
0x41: {  	_ =	shalt  }
0x42: {  	_ =	shalt  }
0x43: {  	_ =	shalt  }
0x44: {  	_ =	shalt  }
0x45: {  	_ =	shalt  }
0x46: {  	_ =	shalt  }
0x47: {  	_ =	shalt  }
0x48: {  	_ =	shalt  }
0x49: {  	_ =	shalt  }
0x4a: {  	_ =	shalt  }
0x4b: {  	_ =	shalt  }
0x4c: {  	_ =	shalt  }
0x4d: {  	_ =	shalt  }
0x4e: {  	_ =	shalt  }
0x4f: {  	_ =	shalt  }
0x50: {  	_ =	shalt  }
0x51: {  	_ =	shalt  }
0x52: {  	_ =	shalt  }
0x53: {  	_ =	shalt  }
0x54: {  	_ =	shalt  }
0x55: {  	_ =	shalt  }
0x56: {  	_ =	shalt  }
0x57: {  	_ =	shalt  }
0x58: {  	_ =	shalt  }
0x59: {  	_ =	shalt  }
0x5a: {  	_ =	shalt  }
0x5b: {  	_ =	shalt  }
0x5c: {  	_ =	shalt  }
0x5d: {  	_ =	shalt  }
0x5e: {  	_ =	shalt  }
0x5f: {  	_ =	shalt  }
0x60: {  	_ =	shalt  }
0x61: {  	_ =	shalt  }
0x62: {  	_ =	shalt  }
0x63: {  	_ =	shalt  }
0x64: {  	_ =	shalt  }
0x65: {  	_ =	shalt  }
0x66: {  	_ =	shalt  }
0x67: {  	_ =	shalt  }
0x68: {  	_ =	shalt  }
0x69: {  	_ =	shalt  }
0x6a: {  	_ =	shalt  }
0x6b: {  	_ =	shalt  }
0x6c: {  	_ =	shalt  }
0x6d: {  	_ =	shalt  }
0x6e: {  	_ =	shalt  }
0x6f: {  	_ =	shalt  }
0x70: {  	_ =	shalt  }
0x71: {  	_ =	shalt  }
0x72: {  	_ =	shalt  }
0x73: {  	_ =	shalt  }
0x74: {  	_ =	shalt  }
0x75: {  	_ =	shalt  }
0x76: {  	_ =	shalt  }
0x77: {  	_ =	shalt  }
0x78: {  	_ =	shalt  }
0x79: {  	_ =	shalt  }
0x7a: {  	_ =	shalt  }
0x7b: {  	_ =	shalt  }
0x7c: {  	_ =	shalt  }
0x7d: {  	_ =	shalt  }
0x7e: {  	_ =	shalt  }
0x7f: {  	_ =	shalt  }
0x80: {  	_ =	shalt  }
0x81: {  	_ =	shalt  }
0x82: {  	_ =	shalt  }
0x83: {  	_ =	shalt  }
0x84: {  	_ =	shalt  }
0x85: {  	_ =	shalt  }
0x86: {  	_ =	shalt  }
0x87: {  	_ =	shalt  }
.Lfunc_end0:
.L_simem_size_0:
called_computation_lowered:
.L_overlay_start_0:
0x88: {  	s2 =	sld [smem:$0x3FD9]  }
0x89: {  	s3 =	sld [smem:$0x3FFE];
	_ =	sdelay $0x1  }
0x8a: {  	s1 =	srdreg.scid  }
0x8b: {  	s0 =	sand.u32 $0x1, s1  }
0x8c: {  	s17 =	sshll.u32 s0, $0xA;
	s2 =	sadd.s32 s3, s2  }
0x8d: {  	s2 =	sadd.s32 s2, s17  }
0x8e: {  	[smem:$0x3FC2] =	sst s2  }
0x8f: {  	_ = 	snop  }
0x90: {  	s2 =	sld [smem:$0x3FC9]  }
0x91: {  	s18 =	sld [smem:$0x3FD0];
	(tm) =	ssettm $0x1  }
0x92: {  	s4 =	sld [smem:$0x3FFB];
	_ =	sdelay $0x3  }
0x93: {  	_ =	strace s4  }
0x94: {  	s4 =	sld [smem:$0x3FFC];
	_ =	sdelay $0x3  }
0x95: {  	_ =	strace s4  }
0x96: {  	s4 =	sld [smem:$0x3FFD];
	_ =	sdelay $0x3  }
0x97: {  	_ =	strace s4  }
0x98: {  	_ =	strace $0x8FFFFFFF  }
0x99: {  	s19 =	sld [smem:$0x3FDB];
	_ =	sdelay $0x1  }
0x9a: {  	s5 =	simm.s32 $_scs_section_size  }
0x9b: {  	s6 =	simm.s32 $_size__tile_overlayer_lowered;
	s7 =	simm.s32 $_tile_overlayer_lowered  }
0x9c: {  	s22 =	simm.s32 $0x1BFF;
	s21 =	sshll.u32 s7, $0x1;
	s4 =	sadd.s32 s5, s19  }
0x9d: {  	s8 =	simm.s32 $0x0;
	s20 =	sshll.u32 s6, $0x1;
	s6 =	sadd.s32 s21, s4  }
0x9e: {  	[timem:s8], [sflag:s22] =	dma.local [hbm:s6], s20  }
0x9f: {  	_ =	swait.ge [sflag:s22], s20  }
0xa0: {  	s5 =	ssub.s32 $0x0, s20;
	[sflag:s22] =	ssyncset.done $0x0  }
0xa1: {  	[sflag:s22] =	ssyncadd.s32 s5;
	_ =	sdelay $0x1  }
0xa2: {  	s23 =	simm.s32 $0x1B8B  }
0xa3: {  	_ =	swait.ge [sflag:s23], $0x1  }
0xa4: {  	[sflag:s23] =	ssyncset.done $0x0  }
0xa5: {  	s25 =	simm.s32 $0x1B8E;
	s24 =	sld [smem:$0x3FFE];
	[sflag:s23] =	ssyncadd.s32 $0xFFFFFFFF  }
0xa6: {  	s26 =	simm.s32 $execute0_lowered;
	[smem:$0x3FD2] =	sst s25  }
0xa7: {  	s6 =	sshll.u32 s26, $0x1;
	_ =	strace $0x80000046;
	[dreg:$0x1] =	wrdreg $0xFFFFFFFF  }
0xa8: {  	s28 =	simm.s32 $_size_execute0_lowered;
	s4 =	sadd.s32 s4, s6;
	[dreg:$0x0] =	wrdreg $0x0  }
0xa9: {  	s6 =	sshll.u32 s28, $0x1;
	[dreg:$0x2] =	wrdreg s4  }
0xaa: {  	[dreg:$0x3] =	wrdreg s6  }
0xab: {  	[dreg:$0x4] =	wrdreg $0xC0  }
0xac: {  	_ =	task [dreg:s8], $0x5FFFF  }
0xad: {  	[dreg:$0x1] =	wrdreg $0xFFFFFFFF  }
0xae: {  	[dreg:$0x0] =	wrdreg $0x60  }
0xaf: {  	[dreg:$0x2] =	wrdreg s2  }
0xb0: {  	[dreg:$0x3] =	wrdreg s24  }
0xb1: {  	[dreg:$0x4] =	wrdreg s18  }
0xb2: {  	[dreg:$0x5] =	wrdreg $0x9  }
0xb3: {  	_ =	task.clear_ibuf [dreg:s8], $0x6FFFF;
	_ =	strace $0x90000046  }
0xb4: {  	s29 =	simm.s32 $0x9;
	_ =	strace $0x80000048  }
0xb5: {  	_ =	swait.ge [sflag:s29], $0x1  }
0xb6: {  	[sflag:s29] =	ssyncadd.s32 $0xFFFFFFFF  }
0xb7: {  	_ =	strace $0x90000048  }
0xb8: {  	_ =	sfence  }
0xb9: {  	s30 =	sld [smem:$0x0];
	_ =	sdelay $0x2  }
0xba: {  	s31 =	sshll.u32 s1, $0xD;
	s1 =	sshrl.u32 s1, $0x2  }
0xbb: {  	s3 =	sand.u32 $0x4000, s31;
	s1 =	sadd.s32 s1, s30  }
0xbc: {  	s0 =	sor.u32 s3, s0;
	s1 =	sshll.u32 s1, $0x11  }
0xbd: {  	s0 =	sor.u32 s1, s0  }
0xbe: {  	s0 =	sadd.s32 $0x8F2B, s0  }
0xbf: {  	[sflag:s0] =	ssyncadd.remote.s32 $0x1  }
0xc0: {  	_ =	sfence.sel $0xFFFF  }
0xc1: {  	[dreg:$0x0] =	wrdreg $0xFFFFFFFF;
	(pc) =	sbr.abs _section_cstart, $3  }
0xc2: {  	[dreg:$0x1] =	wrdreg $0xFFFFFFFF  }
0xc3: {  	_ =	task.clear_ibuf [dreg:s8], $0x2FFFF;
	_ =	strace $0x9FFFFFFF  }
0xc4: {  	(tm) =	ssettm $0x7FFFFFFF  }
0xc5: {  	_ =	shalt  }
tec
execute0_lowered:
.L_overlay_start_1:
0x0: {  	(tag) =	ssettag $0x1  }
0x1: {  	s1 =	srdreg.scid  }
0x2: {  	s4 =	rddreg [dreg:$0x0];
	s0 =	stileid.u32;
	s1 =	sand.u32 $0x1, s1  }
0x3: {  	s5 =	rddreg [dreg:$0x1];
	s3 =	sshll.u32 s0, $0x8;
	s6 =	sshll.u32 s1, $0x7  }
0x4: {  	s2 =	rddreg [dreg:$0x2];
	s6 =	sor.u32 s6, s3;
	s3 =	simm.s32 $0x0  }
0x5: {  	s9 =	sadd.s32 $0x11E00, s5;
	[smem:$0x7FF] =	sst s3  }
0x6: {  	s21 =	simm.s32 $0x800;
	_ =	strace $0x80000047;
	[dreg:$0x4] =	wrdreg s9  }
0x7: {  	s22 =	simm.s32 $0x1000;
	s23 =	simm.s32 $0x1800;
	[dreg:$0x8] =	wrdreg s21  }
0x8: {  	s24 =	simm.s32 $0x2000;
	s25 =	simm.s32 $0x2800;
	[dreg:$0x9] =	wrdreg s22  }
0x9: {  	s26 =	simm.s32 $0x3000;
	s10 =	simm.s32 $0x6800;
	[dreg:$0xa] =	wrdreg s23  }
0xa: {  	s11 =	simm.s32 $0x7000;
	s12 =	simm.s32 $0x7800;
	[dreg:$0xb] =	wrdreg s24  }
0xb: {  	s13 =	simm.s32 $0x8000;
	s14 =	simm.s32 $0x8800;
	[dreg:$0xc] =	wrdreg s25  }
0xc: {  	s15 =	simm.s32 $0x9000;
	s0 =	simm.s32 $0x3800;
	[dreg:$0xd] =	wrdreg s26  }
0xd: {  	s17 =	simm.s32 $0x9800;
	s18 =	simm.s32 $0xA000;
	[dreg:$0xe] =	wrdreg s0  }
0xe: {  	s28 =	simm.s32 $0x16000;
	s29 =	simm.s32 $0x16800;
	[dreg:$0x14] =	wrdreg s10  }
0xf: {  	s30 =	simm.s32 $0x17000;
	s1 =	ssub.s32 $0x2, s1;
	[dreg:$0x15] =	wrdreg s11  }
0x10: {  	s31 =	simm.s32 $0x17800;
	s16 =	sshrl.u32 s1, $0x1;
	[dreg:$0x16] =	wrdreg s12  }
0x11: {  	s7 =	sshrl.u32 s6, $0x3;
	s6 =	sshll.u32 s6, $0x4;
	[dreg:$0x17] =	wrdreg s13  }
0x12: {  	s1 =	ssub.s32 s1, s16;
	s16 =	simm.s32 $0x10800;
	[dreg:$0x18] =	wrdreg s14  }
0x13: {  	s8 =	smul.u32 $0x300, s7;
	s6 =	sadd.s32 s6, s5;
	[dreg:$0x19] =	wrdreg s15  }
0x14: {  	s5 =	sadd.s32 s7, s5;
	s7 =	simm.s32 $0x5000;
	[dreg:$0x1a] =	wrdreg s17  }
0x15: {  	s9 =	simm.s32 $0x6000;
	[dreg:$0x1b] =	wrdreg s18;
	s21 =	simm.s32 $0xB800  }
0x16: {  	s22 =	simm.s32 $0xC000;
	s23 =	simm.s32 $0xC800;
	[dreg:$0x11] =	wrdreg s7  }
0x17: {  	s24 =	simm.s32 $0xD000;
	s10 =	simm.s32 $0x1;
	[dreg:$0x13] =	wrdreg s9  }
0x18: {  	s25 =	simm.s32 $0xD800;
	s11 =	simm.s32 $0x2;
	[dreg:$0x1e] =	wrdreg s21  }
0x19: {  	s26 =	simm.s32 $0xE000;
	s13 =	simm.s32 $0xF000;
	[dreg:$0x1f] =	wrdreg s22  }
0x1a: {  	s14 =	simm.s32 $0xF800;
	s15 =	simm.s32 $0x10000;
	[smem:$0x7FA] =	sst s23  }
0x1b: {  	s17 =	simm.s32 $0x11000;
	s18 =	simm.s32 $0x11800;
	[smem:$0x7FB] =	sst s24  }
0x1c: {  	s19 =	sadd.s32 $0x1C00, s6;
	s20 =	sadd.s32 $0x11C00, s5;
	[smem:$0x7FC] =	sst s25  }
0x1d: {  	s5 =	simm.s32 $0x4000;
	s6 =	simm.s32 $0x4800;
	[smem:$0x7FD] =	sst s26  }
0x1e: {  	s7 =	simm.s32 $0x18000;
	s9 =	simm.s32 $0x3;
	[dreg:$0x6] =	wrdreg s19  }
0x1f: {  	s21 =	simm.s32 $0x13000;
	s22 =	simm.s32 $0x13800;
	[dreg:$0x7] =	wrdreg s20  }
0x20: {  	s23 =	simm.s32 $0x14000;
	s24 =	simm.s32 $0x14800;
	[dreg:$0xf] =	wrdreg s5  }
0x21: {  	s25 =	simm.s32 $0x15000;
	s4 =	sadd.s32 s4, s8;
	[dreg:$0x10] =	wrdreg s6  }
0x22: {  	s26 =	simm.s32 $0x15800;
	s8 =	simm.s32 $0x5800;
	[dreg:$0x5] =	wrdreg s4  }
0x23: {  	s19 =	simm.s32 $0xA800;
	s5 =	sadd.s32 $0x200, s2;
	[dreg:$0x12] =	wrdreg s8  }
0x24: {  	v2 =	vlaneseq.u32;
	s20 =	simm.s32 $0xB000;
	s6 =	smax.u32 s1, $0x1;
	[dreg:$0x1c] =	wrdreg s19  }
0x25: {  	vm0 =	vmmov $0xffff;
	v1 =	vshrl.u32 v2, $0x3;
	s1 =	simm.s32 $0x80;
	s4 =	sadd.s32 $0x100, s2;
	[dreg:$0x1d] =	wrdreg s20  }
0x26: {  	v0 =	vand.u32 $0x7, v2;
	v2 =	vor.u32 $0x8, v2;
	v1 =	vmul.u32 $0x8, v1;
	s8 =	simm.s32 $0x1C000;
	s19 =	simm.s32 $0x12000;
	s20 =	simm.s32 $0x12800  }
.LBB2_1:
0x27: {  	s0 =	rddreg [dreg:$0x5]  }
0x28: {  	[tilespmem:s3], [sflag:$0x1] =	stream.linear.gather [hbm4b:s0+s3], $0x18000, $0x38;
	[tilespmem:$0x1C080] =	vst v63  }
0x29: {  	s12 =	rddreg [dreg:$0x6]  }
0x2a: {  	[tilespmem:s7], [sflag:$0x2] =	stream.linear.gather [hbm4b:s12+s3], $0x4000, $0x38;
	[tilespmem:$0x1C080] =	vst v63  }
0x2b: {  	s0 =	rddreg [dreg:$0x7]  }
0x2c: {  	[tilespmem:s8], [sflag:$0x3] =	stream.linear.gather [hbm4b:s0+s3], $0x80, $0x38;
	[tilespmem:$0x1C080] =	vst v63  }
0x2d: {  	_ =	swait.ge [sflag:s9], $0x80  }
0x2e: {  	[sflag:s9] =	ssyncset.done $0x0  }
0x2f: {  	[sflag:s9] =	ssyncadd.s32 $0xFFFFFF80  }
0x30: {  	_ =	swait.ge [sflag:s10], $0x18000  }
0x31: {  	[sflag:s10] =	ssyncset.done $0x0  }
0x32: {  	[sflag:s10] =	ssyncadd.s32 $0xFFFE8000  }
0x33: {  	_ =	swait.ge [sflag:s11], $0x4000  }
0x34: {  	[sflag:s11] =	ssyncset.done $0x0  }
0x35: {  	[sflag:s11] =	ssyncadd.s32 $0xFFFFC000  }
0x36: {  	v3 =	vld [tilespmem:$0x1C000];
	_ =	sdelay $0x4  }
0x37: {  	v4 =	vshrl.u32 v3, $0x3  }
0x38: {  	v4 =	vmul.u32 $0x30, v4  }
0x39: {  	v3 =	vand.u32 $0x7, v3  }
0x3a: {  	v3 =	vor.u32 v3, v4  }
0x3b: {  	v4 =	vperm.xlane v3, v0;
	_ =	sdelay $0x1  }
0x3c: {  	v4 =	vadd.s32 v1, v4;
	_ =	sdelay $0x3  }
0x3d: {  	v3 =	vperm.xlane v3, v2  }
0x3e: {  	[hbm4b:s2+s3] =	stream.indirect_vreg.scatter [tilespmem:s3], [sflag:$0x1], $0x80, v4, vm0, $0xb8;
	[tilespmem:$0x1C080] =	vst v63  }
0x3f: {  	s0 =	rddreg [dreg:$0x8];
	v3 =	vadd.s32 v1, v3  }
0x40: {  	[hbm4b:s4+s3] =	stream.indirect_vreg.scatter [tilespmem:s0], [sflag:$0x1], $0x80, v4, vm0, $0xb8;
	[tilespmem:$0x1C080] =	vst v63  }
0x41: {  	s12 =	rddreg [dreg:$0x9]  }
0x42: {  	[hbm4b:s5+s3] =	stream.indirect_vreg.scatter [tilespmem:s12], [sflag:$0x1], $0x80, v4, vm0, $0xb8;
	[tilespmem:$0x1C080] =	vst v63  }
0x43: {  	s0 =	rddreg [dreg:$0xa]  }
0x44: {  	[hbm4b:s2+s3] =	stream.indirect_vreg.scatter [tilespmem:s0], [sflag:$0x1], $0x80, v3, vm0, $0xb8;
	[tilespmem:$0x1C080] =	vst v63  }
0x45: {  	s12 =	rddreg [dreg:$0xb]  }
0x46: {  	[hbm4b:s4+s3] =	stream.indirect_vreg.scatter [tilespmem:s12], [sflag:$0x1], $0x80, v3, vm0, $0xb8;
	[tilespmem:$0x1C080] =	vst v63  }
0x47: {  	s0 =	rddreg [dreg:$0xc]  }
0x48: {  	[hbm4b:s5+s3] =	stream.indirect_vreg.scatter [tilespmem:s0], [sflag:$0x1], $0x80, v3, vm0, $0xb8;
	[tilespmem:$0x1C080] =	vst v63  }
0x49: {  	v3 =	vld [tilespmem:$0x1C010];
	_ =	sdelay $0x4  }
0x4a: {  	v57 =	vshrl.u32 v3, $0x3  }
0x4b: {  	v4 =	vmul.u32 $0x30, v57  }
0x4c: {  	v3 =	vand.u32 $0x7, v3  }
0x4d: {  	v3 =	vor.u32 v3, v4  }
0x4e: {  	v4 =	vperm.xlane v3, v0;
	_ =	sdelay $0x1  }
0x4f: {  	v4 =	vadd.s32 v1, v4;
	_ =	sdelay $0x3  }
0x50: {  	s0 =	rddreg [dreg:$0xd];
	v3 =	vperm.xlane v3, v2  }
0x51: {  	[hbm4b:s2+s3] =	stream.indirect_vreg.scatter [tilespmem:s0], [sflag:$0x1], $0x80, v4, vm0, $0xb8;
	[tilespmem:$0x1C080] =	vst v63  }
0x52: {  	s12 =	rddreg [dreg:$0xe];
	v3 =	vadd.s32 v1, v3  }
0x53: {  	[hbm4b:s4+s3] =	stream.indirect_vreg.scatter [tilespmem:s12], [sflag:$0x1], $0x80, v4, vm0, $0xb8;
	[tilespmem:$0x1C080] =	vst v63  }
0x54: {  	s0 =	rddreg [dreg:$0xf]  }
0x55: {  	[hbm4b:s5+s3] =	stream.indirect_vreg.scatter [tilespmem:s0], [sflag:$0x1], $0x80, v4, vm0, $0xb8;
	[tilespmem:$0x1C080] =	vst v63  }
0x56: {  	s12 =	rddreg [dreg:$0x10]  }
0x57: {  	[hbm4b:s2+s3] =	stream.indirect_vreg.scatter [tilespmem:s12], [sflag:$0x1], $0x80, v3, vm0, $0xb8;
	[tilespmem:$0x1C080] =	vst v63  }
0x58: {  	s0 =	rddreg [dreg:$0x11]  }
0x59: {  	[hbm4b:s4+s3] =	stream.indirect_vreg.scatter [tilespmem:s0], [sflag:$0x1], $0x80, v3, vm0, $0xb8;
	[tilespmem:$0x1C080] =	vst v63  }
0x5a: {  	s12 =	rddreg [dreg:$0x12]  }
0x5b: {  	[hbm4b:s5+s3] =	stream.indirect_vreg.scatter [tilespmem:s12], [sflag:$0x1], $0x80, v3, vm0, $0xb8;
	[tilespmem:$0x1C080] =	vst v63  }
0x5c: {  	v3 =	vld [tilespmem:$0x1C020];
	_ =	sdelay $0x4  }
0x5d: {  	v58 =	vshrl.u32 v3, $0x3  }
0x5e: {  	v4 =	vmul.u32 $0x30, v58  }
0x5f: {  	v3 =	vand.u32 $0x7, v3  }
0x60: {  	v3 =	vor.u32 v3, v4  }
0x61: {  	v4 =	vperm.xlane v3, v0;
	_ =	sdelay $0x1  }
0x62: {  	v4 =	vadd.s32 v1, v4;
	_ =	sdelay $0x3  }
0x63: {  	s0 =	rddreg [dreg:$0x13];
	v3 =	vperm.xlane v3, v2  }
0x64: {  	[hbm4b:s2+s3] =	stream.indirect_vreg.scatter [tilespmem:s0], [sflag:$0x1], $0x80, v4, vm0, $0xb8;
	[tilespmem:$0x1C080] =	vst v63  }
0x65: {  	s12 =	rddreg [dreg:$0x14];
	v3 =	vadd.s32 v1, v3  }
0x66: {  	[hbm4b:s4+s3] =	stream.indirect_vreg.scatter [tilespmem:s12], [sflag:$0x1], $0x80, v4, vm0, $0xb8;
	[tilespmem:$0x1C080] =	vst v63  }
0x67: {  	s0 =	rddreg [dreg:$0x15]  }
0x68: {  	[hbm4b:s5+s3] =	stream.indirect_vreg.scatter [tilespmem:s0], [sflag:$0x1], $0x80, v4, vm0, $0xb8;
	[tilespmem:$0x1C080] =	vst v63  }
0x69: {  	s12 =	rddreg [dreg:$0x16]  }
0x6a: {  	[hbm4b:s2+s3] =	stream.indirect_vreg.scatter [tilespmem:s12], [sflag:$0x1], $0x80, v3, vm0, $0xb8;
	[tilespmem:$0x1C080] =	vst v63  }
0x6b: {  	s0 =	rddreg [dreg:$0x17]  }
0x6c: {  	[hbm4b:s4+s3] =	stream.indirect_vreg.scatter [tilespmem:s0], [sflag:$0x1], $0x80, v3, vm0, $0xb8;
	[tilespmem:$0x1C080] =	vst v63  }
0x6d: {  	s12 =	rddreg [dreg:$0x18]  }
0x6e: {  	[hbm4b:s5+s3] =	stream.indirect_vreg.scatter [tilespmem:s12], [sflag:$0x1], $0x80, v3, vm0, $0xb8;
	[tilespmem:$0x1C080] =	vst v63  }
0x6f: {  	v3 =	vld [tilespmem:$0x1C030];
	_ =	sdelay $0x4  }
0x70: {  	v59 =	vshrl.u32 v3, $0x3  }
0x71: {  	v4 =	vmul.u32 $0x30, v59  }
0x72: {  	v3 =	vand.u32 $0x7, v3  }
0x73: {  	v3 =	vor.u32 v3, v4  }
0x74: {  	v4 =	vperm.xlane v3, v0;
	_ =	sdelay $0x1  }
0x75: {  	v4 =	vadd.s32 v1, v4;
	_ =	sdelay $0x3  }
0x76: {  	s0 =	rddreg [dreg:$0x19];
	v3 =	vperm.xlane v3, v2  }
0x77: {  	[hbm4b:s2+s3] =	stream.indirect_vreg.scatter [tilespmem:s0], [sflag:$0x1], $0x80, v4, vm0, $0xb8;
	[tilespmem:$0x1C080] =	vst v63  }
0x78: {  	s12 =	rddreg [dreg:$0x1a];
	v3 =	vadd.s32 v1, v3  }
0x79: {  	[hbm4b:s4+s3] =	stream.indirect_vreg.scatter [tilespmem:s12], [sflag:$0x1], $0x80, v4, vm0, $0xb8;
	[tilespmem:$0x1C080] =	vst v63  }
0x7a: {  	s0 =	rddreg [dreg:$0x1b]  }
0x7b: {  	[hbm4b:s5+s3] =	stream.indirect_vreg.scatter [tilespmem:s0], [sflag:$0x1], $0x80, v4, vm0, $0xb8;
	[tilespmem:$0x1C080] =	vst v63  }
0x7c: {  	s12 =	rddreg [dreg:$0x1c]  }
0x7d: {  	[hbm4b:s2+s3] =	stream.indirect_vreg.scatter [tilespmem:s12], [sflag:$0x1], $0x80, v3, vm0, $0xb8;
	[tilespmem:$0x1C080] =	vst v63  }
0x7e: {  	s0 =	rddreg [dreg:$0x1d]  }
0x7f: {  	[hbm4b:s4+s3] =	stream.indirect_vreg.scatter [tilespmem:s0], [sflag:$0x1], $0x80, v3, vm0, $0xb8;
	[tilespmem:$0x1C080] =	vst v63  }
0x80: {  	s12 =	rddreg [dreg:$0x1e]  }
0x81: {  	[hbm4b:s5+s3] =	stream.indirect_vreg.scatter [tilespmem:s12], [sflag:$0x1], $0x80, v3, vm0, $0xb8;
	[tilespmem:$0x1C080] =	vst v63  }
0x82: {  	v3 =	vld [tilespmem:$0x1C040];
	_ =	sdelay $0x4  }
0x83: {  	v60 =	vshrl.u32 v3, $0x3  }
0x84: {  	v4 =	vmul.u32 $0x30, v60  }
0x85: {  	v3 =	vand.u32 $0x7, v3  }
0x86: {  	v3 =	vor.u32 v3, v4  }
0x87: {  	v4 =	vperm.xlane v3, v0;
	_ =	sdelay $0x1  }
0x88: {  	v4 =	vadd.s32 v1, v4;
	_ =	sdelay $0x2  }
0x89: {  	s0 =	rddreg [dreg:$0x1f]  }
0x8a: {  	s12 =	sld [smem:$0x7FA];
	v3 =	vperm.xlane v3, v2  }
0x8b: {  	[hbm4b:s2+s3] =	stream.indirect_vreg.scatter [tilespmem:s0], [sflag:$0x1], $0x80, v4, vm0, $0xb8;
	[tilespmem:$0x1C080] =	vst v63  }
0x8c: {  	v3 =	vadd.s32 v1, v3;
	s0 =	sld [smem:$0x7FB]  }
0x8d: {  	[hbm4b:s4+s3] =	stream.indirect_vreg.scatter [tilespmem:s12], [sflag:$0x1], $0x80, v4, vm0, $0xb8;
	[tilespmem:$0x1C080] =	vst v63  }
0x8e: {  	s12 =	sld [smem:$0x7FC]  }
0x8f: {  	[hbm4b:s5+s3] =	stream.indirect_vreg.scatter [tilespmem:s0], [sflag:$0x1], $0x80, v4, vm0, $0xb8;
	[tilespmem:$0x1C080] =	vst v63  }
0x90: {  	s0 =	sld [smem:$0x7FD]  }
0x91: {  	[hbm4b:s2+s3] =	stream.indirect_vreg.scatter [tilespmem:s12], [sflag:$0x1], $0x80, v3, vm0, $0xb8;
	[tilespmem:$0x1C080] =	vst v63  }
0x92: {  	_ = 	snop  }
0x93: {  	[hbm4b:s4+s3] =	stream.indirect_vreg.scatter [tilespmem:s0], [sflag:$0x1], $0x80, v3, vm0, $0xb8;
	[tilespmem:$0x1C080] =	vst v63  }
0x94: {  	s12 =	simm.s32 $0xE800  }
0x95: {  	[hbm4b:s5+s3] =	stream.indirect_vreg.scatter [tilespmem:s12], [sflag:$0x1], $0x80, v3, vm0, $0xb8;
	[tilespmem:$0x1C080] =	vst v63  }
0x96: {  	v3 =	vld [tilespmem:$0x1C050];
	_ =	sdelay $0x4  }
0x97: {  	v61 =	vshrl.u32 v3, $0x3  }
0x98: {  	v4 =	vmul.u32 $0x30, v61  }
0x99: {  	v3 =	vand.u32 $0x7, v3  }
0x9a: {  	v3 =	vor.u32 v3, v4  }
0x9b: {  	v4 =	vperm.xlane v3, v0;
	_ =	sdelay $0x1  }
0x9c: {  	v4 =	vadd.s32 v1, v4;
	_ =	sdelay $0x3  }
0x9d: {  	v3 =	vperm.xlane v3, v2  }
0x9e: {  	[hbm4b:s2+s3] =	stream.indirect_vreg.scatter [tilespmem:s13], [sflag:$0x1], $0x80, v4, vm0, $0xb8;
	[tilespmem:$0x1C080] =	vst v63  }
0x9f: {  	v3 =	vadd.s32 v1, v3  }
0xa0: {  	[hbm4b:s4+s3] =	stream.indirect_vreg.scatter [tilespmem:s14], [sflag:$0x1], $0x80, v4, vm0, $0xb8;
	[tilespmem:$0x1C080] =	vst v63  }
0xa1: {  	_ = 	snop  }
0xa2: {  	[hbm4b:s5+s3] =	stream.indirect_vreg.scatter [tilespmem:s15], [sflag:$0x1], $0x80, v4, vm0, $0xb8;
	[tilespmem:$0x1C080] =	vst v63  }
0xa3: {  	_ = 	snop  }
0xa4: {  	[hbm4b:s2+s3] =	stream.indirect_vreg.scatter [tilespmem:s16], [sflag:$0x1], $0x80, v3, vm0, $0xb8;
	[tilespmem:$0x1C080] =	vst v63  }
0xa5: {  	_ = 	snop  }
0xa6: {  	[hbm4b:s4+s3] =	stream.indirect_vreg.scatter [tilespmem:s17], [sflag:$0x1], $0x80, v3, vm0, $0xb8;
	[tilespmem:$0x1C080] =	vst v63  }
0xa7: {  	_ = 	snop  }
0xa8: {  	[hbm4b:s5+s3] =	stream.indirect_vreg.scatter [tilespmem:s18], [sflag:$0x1], $0x80, v3, vm0, $0xb8;
	[tilespmem:$0x1C080] =	vst v63  }
0xa9: {  	v3 =	vld [tilespmem:$0x1C060];
	_ =	sdelay $0x4  }
0xaa: {  	v62 =	vshrl.u32 v3, $0x3  }
0xab: {  	v4 =	vmul.u32 $0x30, v62  }
0xac: {  	v3 =	vand.u32 $0x7, v3  }
0xad: {  	v3 =	vor.u32 v3, v4  }
0xae: {  	v4 =	vperm.xlane v3, v0;
	_ =	sdelay $0x1  }
0xaf: {  	v4 =	vadd.s32 v1, v4;
	_ =	sdelay $0x3  }
0xb0: {  	v3 =	vperm.xlane v3, v2  }
0xb1: {  	[hbm4b:s2+s3] =	stream.indirect_vreg.scatter [tilespmem:s19], [sflag:$0x1], $0x80, v4, vm0, $0xb8;
	[tilespmem:$0x1C080] =	vst v63  }
0xb2: {  	v3 =	vadd.s32 v1, v3  }
0xb3: {  	[hbm4b:s4+s3] =	stream.indirect_vreg.scatter [tilespmem:s20], [sflag:$0x1], $0x80, v4, vm0, $0xb8;
	[tilespmem:$0x1C080] =	vst v63  }
0xb4: {  	_ = 	snop  }
0xb5: {  	[hbm4b:s5+s3] =	stream.indirect_vreg.scatter [tilespmem:s21], [sflag:$0x1], $0x80, v4, vm0, $0xb8;
	[tilespmem:$0x1C080] =	vst v63  }
0xb6: {  	_ = 	snop  }
0xb7: {  	[hbm4b:s2+s3] =	stream.indirect_vreg.scatter [tilespmem:s22], [sflag:$0x1], $0x80, v3, vm0, $0xb8;
	[tilespmem:$0x1C080] =	vst v63  }
0xb8: {  	_ = 	snop  }
0xb9: {  	[hbm4b:s4+s3] =	stream.indirect_vreg.scatter [tilespmem:s23], [sflag:$0x1], $0x80, v3, vm0, $0xb8;
	[tilespmem:$0x1C080] =	vst v63  }
0xba: {  	_ = 	snop  }
0xbb: {  	[hbm4b:s5+s3] =	stream.indirect_vreg.scatter [tilespmem:s24], [sflag:$0x1], $0x80, v3, vm0, $0xb8;
	[tilespmem:$0x1C080] =	vst v63  }
0xbc: {  	v3 =	vld [tilespmem:$0x1C070];
	_ =	sdelay $0x4  }
0xbd: {  	v63 =	vshrl.u32 v3, $0x3  }
0xbe: {  	v4 =	vmul.u32 $0x30, v63  }
0xbf: {  	v3 =	vand.u32 $0x7, v3  }
0xc0: {  	v3 =	vor.u32 v3, v4  }
0xc1: {  	v4 =	vperm.xlane v3, v0;
	_ =	sdelay $0x1  }
0xc2: {  	v4 =	vadd.s32 v1, v4;
	_ =	sdelay $0x3  }
0xc3: {  	v3 =	vperm.xlane v3, v2  }
0xc4: {  	[hbm4b:s2+s3] =	stream.indirect_vreg.scatter [tilespmem:s25], [sflag:$0x1], $0x80, v4, vm0, $0xb8;
	[tilespmem:$0x1C080] =	vst v63  }
0xc5: {  	v3 =	vadd.s32 v1, v3  }
0xc6: {  	[hbm4b:s4+s3] =	stream.indirect_vreg.scatter [tilespmem:s26], [sflag:$0x1], $0x80, v4, vm0, $0xb8;
	[tilespmem:$0x1C080] =	vst v63  }
0xc7: {  	_ = 	snop  }
0xc8: {  	[hbm4b:s5+s3] =	stream.indirect_vreg.scatter [tilespmem:s28], [sflag:$0x1], $0x80, v4, vm0, $0xb8;
	[tilespmem:$0x1C080] =	vst v63  }
0xc9: {  	_ = 	snop  }
0xca: {  	[hbm4b:s2+s3] =	stream.indirect_vreg.scatter [tilespmem:s29], [sflag:$0x1], $0x80, v3, vm0, $0xb8;
	[tilespmem:$0x1C080] =	vst v63  }
0xcb: {  	_ = 	snop  }
0xcc: {  	[hbm4b:s4+s3] =	stream.indirect_vreg.scatter [tilespmem:s30], [sflag:$0x1], $0x80, v3, vm0, $0xb8;
	[tilespmem:$0x1C080] =	vst v63  }
0xcd: {  	_ = 	snop  }
0xce: {  	[hbm4b:s5+s3] =	stream.indirect_vreg.scatter [tilespmem:s31], [sflag:$0x1], $0x80, v3, vm0, $0xb8;
	[tilespmem:$0x1C080] =	vst v63  }
0xcf: {  	s12 =	rddreg [dreg:$0x4]  }
0xd0: {  	[hbm4b:s12+s1] =	stream.indirect.scatter [tilespmem:s7], [sflag:$0x2], $0x80, s8, s1, $0xb8;
	[tilespmem:$0x1C080] =	vst v63  }
0xd1: {  	p0 =	sne.s32 s6, $0x1;
	_ =	swait.ge [sflag:s10], $0x18000  }
.Ltmp0:
0xd2: {  	[sflag:s10] =	ssyncset.done $0x0;
	(pc) =	sbr.rel @p0 .LBB2_1-.Ltmp0, $4  }
0xd3: {  	[sflag:s10] =	ssyncadd.s32 $0xFFFE8000  }
0xd4: {  	_ =	swait.ge [sflag:s11], $0x4000  }
0xd5: {  	[sflag:s11] =	ssyncset.done $0x0  }
0xd6: {  	s6 =	sadd.s32 $0xFFFFFFFF, s6;
	[sflag:s11] =	ssyncadd.s32 $0xFFFFC000  }
0xd7: {  	_ =	sfence.sel $0x180000  }
0xd8: {  	[bflag:$0x0] =	sbarrier.arrive $0xFFFF  }
0xd9: {  	_ =	strace $0x90000047  }
0xda: {  	s0 =	stileid.u32;
	[bflag:$0x2] =	sbarrier.arrive $0xFFFF  }
0xdb: {  	p0 =	sne.s32 s0, $0x0;
	s0 =	rddreg [dreg:$0x3]  }
0xdc: {  	s0 =	sadd.s32 @!p0 $0x100000, s0  }
0xdd: {  	[sflag:s0] =	ssyncadd.tile.s32 @!p0 $0x1;
	_ =	shalt  }
.Lfunc_end2:
_tile_overlayer_lowered:
.L_overlay_start_2:
0xde: {  	(tag) =	ssettag $0x2  }
0xdf: {  	s0 =	rddreg [dreg:$0x0];
	s2 =	stileid.u32  }
0xe0: {  	s1 =	rddreg [dreg:$0x1];
	p0 =	sne.s32 s2, $0x0  }
0xe1: {  	s3 =	rddreg [dreg:$0x2];
	[bflag:$0x3] =	sbarrier.arrive $0xFFFF;
	s2 =	simm.s32 @!p0 $0x1C03  }
0xe2: {  	[timem:s3], [sflag:s2] =	dma.local @!p0 [hbm:s0], s1  }
0xe3: {  	s0 =	simm.s32 @!p0 $0x3  }
0xe4: {  	_ =	swait.ge @!p0 [sflag:s0], s1  }
0xe5: {  	s1 =	ssub.s32 @!p0 $0x0, s1;
	[sflag:s0] =	ssyncset.done @!p0 $0x0  }
0xe6: {  	[sflag:s0] =	ssyncadd.s32 @!p0 s1  }
0xe7: {  	[bflag:$0x3] =	sbarrier.arrive $0xFFFF  }
0xe8: {  	_ =	shalt  }

// kernel: kernel.9.cloned.1.call-start
scs
__scs_entry_jumppad:
0x0: {  	(pc) =	sbr.rel $0x88, $3  }
0x1: {  	(tag) =	ssettag $0x0;
	lr =	simm.s32 $0x1  }
0x2: {  	[smem:$0x3F9B] =	sst lr;
	_ =	strace $0xD0000000  }
0x3: {  	_ = 	snop  }
0x4: {  	_ = 	snop  }
0x5: {  	_ = 	snop  }
0x6: {  	_ = 	snop  }
0x7: {  	_ = 	snop  }
__scs_overlays_trampoline_lowered:
0x8: {  	[smem:$0x3FAA] =	sst s0  }
0x9: {  	[smem:$0x3FAB] =	sst s1  }
0xa: {  	[smem:$0x3FAC] =	sst s2  }
0xb: {  	[smem:$0x3FAD] =	sst s3  }
0xc: {  	[smem:$0x3FAE] =	sst s4  }
0xd: {  	[smem:$0x3FAF] =	sst s5  }
0xe: {  	[smem:$0x3FB0] =	sst s6  }
0xf: {  	[smem:$0x3FB1] =	sst s7  }
0x10: {  	[smem:$0x3FB2] =	sst s8  }
0x11: {  	[smem:$0x3FB3] =	sst s9;
	s0 =	simm.s32 @!p0 $0x0  }
0x12: {  	s1 =	sld [smem:$0x3F99];
	s0 =	simm.s32 @p0 $0x1  }
0x13: {  	[smem:$0x3FB4] =	sst s0;
	s0 =	simm.s32 @!p1 $0x0  }
0x14: {  	s2 =	sld [smem:$0x3F98];
	s0 =	simm.s32 @p1 $0x1  }
0x15: {  	[smem:$0x3FB5] =	sst s0;
	s0 =	simm.s32 @!p2 $0x0  }
0x16: {  	s3 =	sld [smem:$0x3FDB];
	s0 =	simm.s32 @p2 $0x1  }
0x17: {  	s4 =	simm.s32 $0x1BF5;
	[smem:$0x3FB7] =	sst s0  }
0x18: {  	s0 =	sld [smem:$0x3F9A];
	_ =	swait.ge [sflag:s4], $0x0  }
0x19: {  	s7 =	sld [smem:$0x3F9B]  }
0x1a: {  	s8 =	sadd.s32 $0xFFFFE003, lr  }
0x1b: {  	s9 =	sadd.s32 $0xFFFFFEF7, lr;
	s5 =	simm.s32 $0xFFFFFFFF;
	p2 =	slt.u32 s8, $0xFFFFF086  }
0x1c: {  	p1 =	slt.u32 s9, $0xF7A;
	s5 =	simm.s32 @!p2 $0x0  }
0x1d: {  	s5 =	simm.s32 @p1 $0x1;
	p0 =	seq.s32 s7, s2  }
0x1e: {  	s7 =	smul.u32 @!p0 $0xF7A, s2;
	p2 =	seq.s32 @!p0 s5, $0x0  }
0x1f: {  	s9 =	smul.u32 $0xF7A, s1;
	s8 =	simm.s32 @!p0 $0x1BF5;
	p2 =	por !p2, p0  }
0x20: {  	[sflag:s8] =	ssyncset.s32 @!p0 $0xFFFFF086;
	s6 =	sadd.s32 @!p0 s3, s7;
	s7 =	simm.s32 @!p0 $0x108  }
0x21: {  	s3 =	sadd.s32 s3, s9;
	s6 =	sadd.s32 @!p0 $0x88, s6;
	s7 =	simm.s32 @p2 $0x1082  }
0x22: {  	[simem:s7], [sflag:s8] =	dma.local @!p0 [hbm:s6], $0xF7A  }
0x23: {  	s9 =	sor.u32 $0xD0000000, s2;
	s6 =	simm.s32 $0x108;
	_ =	swait.ge @!p0 [sflag:s8], $0x0  }
0x24: {  	s3 =	sadd.s32 $0x88, s3;
	s6 =	simm.s32 @!p1 $0x1082;
	[sflag:s4] =	ssyncset.s32 $0xFFFFF086  }
0x25: {  	[simem:s6], [sflag:s4] =	dma.local [hbm:s3], $0xF7A  }
0x26: {  	[smem:$0x3F9B] =	sst s1;
	(tag) =	ssettag s2;
	_ =	strace s9  }
0x27: {  	s1 =	sld [smem:$0x3FAB]  }
0x28: {  	s2 =	sld [smem:$0x3FAC]  }
0x29: {  	s4 =	sld [smem:$0x3FAE]  }
0x2a: {  	p0 =	seq.s32 s5, $0x0;
	s5 =	sld [smem:$0x3FAF]  }
0x2b: {  	s6 =	sld [smem:$0x3FB0]  }
0x2c: {  	s7 =	sld [smem:$0x3FB1]  }
0x2d: {  	s3 =	simm.s32 $0x108;
	s8 =	sld [smem:$0x3FB2]  }
0x2e: {  	s3 =	simm.s32 @!p0 $0x1082;
	s9 =	sld [smem:$0x3FB3]  }
0x2f: {  	lr =	sadd.s32 s0, s3;
	s0 =	sld [smem:$0x3FAA]  }
0x30: {  	s3 =	sld [smem:$0x3FAD]  }
0x31: {  	[smem:$0x3FB6] =	sst s10  }
0x32: {  	s10 =	sld [smem:$0x3FB4];
	_ =	sdelay $0x3  }
0x33: {  	p0 =	seq.s32 s10, $0x1;
	s10 =	sld [smem:$0x3FB6];
	_ =	sdelay $0x3  }
0x34: {  	[smem:$0x3FB6] =	sst s10  }
0x35: {  	s10 =	sld [smem:$0x3FB5];
	_ =	sdelay $0x3  }
0x36: {  	p1 =	seq.s32 s10, $0x1;
	s10 =	sld [smem:$0x3FB6];
	_ =	sdelay $0x3  }
0x37: {  	[smem:$0x3FB6] =	sst s10  }
0x38: {  	s10 =	sld [smem:$0x3FB7]  }
0x39: {  	_ = 	snop;
	(pc) =	sbr.ind lr, $3  }
0x3a: {  	_ = 	snop  }
0x3b: {  	_ = 	snop  }
0x3c: {  	p2 =	seq.s32 s10, $0x1;
	s10 =	sld [smem:$0x3FB6]  }
0x3d: {  	_ =	shalt  }
0x3e: {  	_ =	shalt  }
0x3f: {  	_ =	shalt  }
0x40: {  	_ =	shalt  }
0x41: {  	_ =	shalt  }
0x42: {  	_ =	shalt  }
0x43: {  	_ =	shalt  }
0x44: {  	_ =	shalt  }
0x45: {  	_ =	shalt  }
0x46: {  	_ =	shalt  }
0x47: {  	_ =	shalt  }
0x48: {  	_ =	shalt  }
0x49: {  	_ =	shalt  }
0x4a: {  	_ =	shalt  }
0x4b: {  	_ =	shalt  }
0x4c: {  	_ =	shalt  }
0x4d: {  	_ =	shalt  }
0x4e: {  	_ =	shalt  }
0x4f: {  	_ =	shalt  }
0x50: {  	_ =	shalt  }
0x51: {  	_ =	shalt  }
0x52: {  	_ =	shalt  }
0x53: {  	_ =	shalt  }
0x54: {  	_ =	shalt  }
0x55: {  	_ =	shalt  }
0x56: {  	_ =	shalt  }
0x57: {  	_ =	shalt  }
0x58: {  	_ =	shalt  }
0x59: {  	_ =	shalt  }
0x5a: {  	_ =	shalt  }
0x5b: {  	_ =	shalt  }
0x5c: {  	_ =	shalt  }
0x5d: {  	_ =	shalt  }
0x5e: {  	_ =	shalt  }
0x5f: {  	_ =	shalt  }
0x60: {  	_ =	shalt  }
0x61: {  	_ =	shalt  }
0x62: {  	_ =	shalt  }
0x63: {  	_ =	shalt  }
0x64: {  	_ =	shalt  }
0x65: {  	_ =	shalt  }
0x66: {  	_ =	shalt  }
0x67: {  	_ =	shalt  }
0x68: {  	_ =	shalt  }
0x69: {  	_ =	shalt  }
0x6a: {  	_ =	shalt  }
0x6b: {  	_ =	shalt  }
0x6c: {  	_ =	shalt  }
0x6d: {  	_ =	shalt  }
0x6e: {  	_ =	shalt  }
0x6f: {  	_ =	shalt  }
0x70: {  	_ =	shalt  }
0x71: {  	_ =	shalt  }
0x72: {  	_ =	shalt  }
0x73: {  	_ =	shalt  }
0x74: {  	_ =	shalt  }
0x75: {  	_ =	shalt  }
0x76: {  	_ =	shalt  }
0x77: {  	_ =	shalt  }
0x78: {  	_ =	shalt  }
0x79: {  	_ =	shalt  }
0x7a: {  	_ =	shalt  }
0x7b: {  	_ =	shalt  }
0x7c: {  	_ =	shalt  }
0x7d: {  	_ =	shalt  }
0x7e: {  	_ =	shalt  }
0x7f: {  	_ =	shalt  }
0x80: {  	_ =	shalt  }
0x81: {  	_ =	shalt  }
0x82: {  	_ =	shalt  }
0x83: {  	_ =	shalt  }
0x84: {  	_ =	shalt  }
0x85: {  	_ =	shalt  }
0x86: {  	_ =	shalt  }
0x87: {  	_ =	shalt  }
.Lfunc_end0:
.L_simem_size_0:
called_computation.1_lowered:
.L_overlay_start_0:
0x88: {  	s2 =	sld [smem:$0x3FD9]  }
0x89: {  	s3 =	sld [smem:$0x3FFE];
	_ =	sdelay $0x1  }
0x8a: {  	s1 =	srdreg.scid  }
0x8b: {  	s0 =	sand.u32 $0x1, s1  }
0x8c: {  	s17 =	sshll.u32 s0, $0xA;
	s2 =	sadd.s32 s3, s2  }
0x8d: {  	s2 =	sadd.s32 s2, s17  }
0x8e: {  	[smem:$0x3FC2] =	sst s2  }
0x8f: {  	_ = 	snop  }
0x90: {  	s2 =	sld [smem:$0x3FD0];
	(tm) =	ssettm $0x1  }
0x91: {  	s18 =	sld [smem:$0x3FFB];
	_ =	sdelay $0x3  }
0x92: {  	_ =	strace s18  }
0x93: {  	s3 =	sld [smem:$0x3FFC];
	_ =	sdelay $0x3  }
0x94: {  	_ =	strace s3  }
0x95: {  	s3 =	sld [smem:$0x3FFD];
	_ =	sdelay $0x3  }
0x96: {  	_ =	strace s3  }
0x97: {  	_ =	strace $0x8FFFFFFF  }
0x98: {  	s19 =	sld [smem:$0x3FDB];
	_ =	sdelay $0x1  }
0x99: {  	s4 =	simm.s32 $_scs_section_size  }
0x9a: {  	s5 =	simm.s32 $_size__tile_overlayer_lowered;
	s6 =	simm.s32 $_tile_overlayer_lowered  }
0x9b: {  	s22 =	simm.s32 $0x1BFF;
	s21 =	sshll.u32 s6, $0x1;
	s3 =	sadd.s32 s4, s19  }
0x9c: {  	s7 =	simm.s32 $0x0;
	s20 =	sshll.u32 s5, $0x1;
	s5 =	sadd.s32 s21, s3  }
0x9d: {  	[timem:s7], [sflag:s22] =	dma.local [hbm:s5], s20  }
0x9e: {  	_ =	swait.ge [sflag:s22], s20  }
0x9f: {  	s4 =	ssub.s32 $0x0, s20;
	[sflag:s22] =	ssyncset.done $0x0  }
0xa0: {  	[sflag:s22] =	ssyncadd.s32 s4;
	_ =	sdelay $0x1  }
0xa1: {  	s23 =	simm.s32 $0x1B8B  }
0xa2: {  	_ =	swait.ge [sflag:s23], $0x1  }
0xa3: {  	[sflag:s23] =	ssyncset.done $0x0  }
0xa4: {  	s25 =	simm.s32 $0x1B8E;
	s24 =	sld [smem:$0x3FFE];
	[sflag:s23] =	ssyncadd.s32 $0xFFFFFFFF  }
0xa5: {  	s26 =	simm.s32 $execute0_lowered;
	[smem:$0x3FD2] =	sst s25  }
0xa6: {  	s5 =	sshll.u32 s26, $0x1;
	_ =	strace $0x80000049;
	[dreg:$0x1] =	wrdreg $0xFFFFFFFF  }
0xa7: {  	s28 =	simm.s32 $_size_execute0_lowered;
	s3 =	sadd.s32 s3, s5;
	[dreg:$0x0] =	wrdreg $0x0  }
0xa8: {  	s5 =	sshll.u32 s28, $0x1;
	[dreg:$0x2] =	wrdreg s3  }
0xa9: {  	[dreg:$0x3] =	wrdreg s5  }
0xaa: {  	[dreg:$0x4] =	wrdreg $0xC0  }
0xab: {  	_ =	task [dreg:s7], $0x5FFFF  }
0xac: {  	[dreg:$0x1] =	wrdreg $0xFFFFFFFF  }
0xad: {  	[dreg:$0x0] =	wrdreg $0x60  }
0xae: {  	[dreg:$0x2] =	wrdreg s24  }
0xaf: {  	[dreg:$0x3] =	wrdreg s2  }
0xb0: {  	[dreg:$0x4] =	wrdreg $0x9  }
0xb1: {  	_ =	task.clear_ibuf [dreg:s7], $0x5FFFF;
	_ =	strace $0x90000049  }
0xb2: {  	s29 =	simm.s32 $0x9;
	_ =	strace $0x8000004B  }
0xb3: {  	_ =	swait.ge [sflag:s29], $0x1  }
0xb4: {  	[sflag:s29] =	ssyncadd.s32 $0xFFFFFFFF  }
0xb5: {  	_ =	strace $0x9000004B  }
0xb6: {  	_ =	sfence  }
0xb7: {  	s30 =	sld [smem:$0x0];
	_ =	sdelay $0x2  }
0xb8: {  	s31 =	sshll.u32 s1, $0xD;
	s1 =	sshrl.u32 s1, $0x2  }
0xb9: {  	s3 =	sand.u32 $0x4000, s31;
	s1 =	sadd.s32 s1, s30  }
0xba: {  	s0 =	sor.u32 s3, s0;
	s1 =	sshll.u32 s1, $0x11  }
0xbb: {  	s0 =	sor.u32 s1, s0  }
0xbc: {  	s0 =	sadd.s32 $0x8F2B, s0  }
0xbd: {  	[sflag:s0] =	ssyncadd.remote.s32 $0x1  }
0xbe: {  	_ =	sfence.sel $0xFFFF  }
0xbf: {  	[dreg:$0x0] =	wrdreg $0xFFFFFFFF;
	(pc) =	sbr.abs _section_cstart, $3  }
0xc0: {  	[dreg:$0x1] =	wrdreg $0xFFFFFFFF  }
0xc1: {  	_ =	task.clear_ibuf [dreg:s7], $0x2FFFF;
	_ =	strace $0x9FFFFFFF  }
0xc2: {  	(tm) =	ssettm $0x7FFFFFFF  }
0xc3: {  	_ =	shalt  }
tec
execute0_lowered:
.L_overlay_start_1:
0x0: {  	(tag) =	ssettag $0x1  }
0x1: {  	s2 =	srdreg.scid;
	s1 =	rddreg [dreg:$0x0]  }
0x2: {  	s3 =	rddreg [dreg:$0x1];
	s4 =	sand.u32 $0x1, s2;
	s2 =	simm.s32 $0x0  }
0x3: {  	s0 =	stileid.u32;
	s25 =	simm.s32 $0x880;
	[smem:$0x7FF] =	sst s2  }
0x4: {  	s26 =	simm.s32 $0x1080;
	_ =	strace $0x8000004A;
	[dreg:$0x5] =	wrdreg s25  }
0x5: {  	s5 =	sshll.u32 s0, $0x5;
	s0 =	simm.s32 $0x1880;
	[dreg:$0x6] =	wrdreg s26  }
0x6: {  	s7 =	simm.s32 $0x3080;
	[dreg:$0x7] =	wrdreg s0  }
0x7: {  	s8 =	simm.s32 $0x3880;
	[dreg:$0xa] =	wrdreg s7  }
0x8: {  	s9 =	simm.s32 $0x4080;
	[dreg:$0xb] =	wrdreg s8  }
0x9: {  	s10 =	simm.s32 $0x4880;
	[dreg:$0xc] =	wrdreg s9  }
0xa: {  	s11 =	simm.s32 $0x5080;
	[dreg:$0xd] =	wrdreg s10  }
0xb: {  	s12 =	simm.s32 $0x5880;
	[dreg:$0xe] =	wrdreg s11  }
0xc: {  	s13 =	simm.s32 $0x6080;
	[dreg:$0xf] =	wrdreg s12  }
0xd: {  	s14 =	simm.s32 $0x6880;
	[dreg:$0x10] =	wrdreg s13  }
0xe: {  	s15 =	simm.s32 $0x7080;
	[dreg:$0x11] =	wrdreg s14  }
0xf: {  	s16 =	simm.s32 $0x7880;
	s17 =	simm.s32 $0x8080;
	[dreg:$0x12] =	wrdreg s15  }
0x10: {  	s18 =	simm.s32 $0x8880;
	s19 =	simm.s32 $0x9080;
	[dreg:$0x13] =	wrdreg s16  }
0x11: {  	s21 =	simm.s32 $0x9880;
	s22 =	simm.s32 $0xA080;
	[dreg:$0x14] =	wrdreg s17  }
0x12: {  	s23 =	simm.s32 $0xB080;
	s24 =	simm.s32 $0xB880;
	[dreg:$0x15] =	wrdreg s18  }
0x13: {  	s28 =	simm.s32 $0x16080;
	s29 =	simm.s32 $0x16880;
	[dreg:$0x16] =	wrdreg s19  }
0x14: {  	s30 =	simm.s32 $0x17080;
	s31 =	simm.s32 $0x17880;
	[dreg:$0x17] =	wrdreg s21  }
0x15: {  	s6 =	sshll.u32 s4, $0x4;
	s4 =	ssub.s32 $0x2, s4;
	[dreg:$0x18] =	wrdreg s22  }
0x16: {  	s5 =	sor.u32 s6, s5;
	s20 =	sshrl.u32 s4, $0x1;
	[dreg:$0x1a] =	wrdreg s23  }
0x17: {  	s7 =	simm.s32 $0xA880;
	[dreg:$0x1b] =	wrdreg s24;
	s25 =	simm.s32 $0xC080  }
0x18: {  	s8 =	simm.s32 $0x80;
	s26 =	simm.s32 $0xC880;
	s10 =	simm.s32 $0xD880  }
0x19: {  	s11 =	simm.s32 $0xE080;
	s12 =	simm.s32 $0xE880;
	s13 =	simm.s32 $0xF080  }
0x1a: {  	s14 =	simm.s32 $0xF880;
	s15 =	simm.s32 $0x10080;
	s16 =	simm.s32 $0x10880  }
0x1b: {  	s17 =	simm.s32 $0x11080;
	s18 =	simm.s32 $0x11880;
	s19 =	simm.s32 $0x12080  }
0x1c: {  	s21 =	simm.s32 $0x13080;
	s22 =	simm.s32 $0x13880;
	[dreg:$0x19] =	wrdreg s7  }
0x1d: {  	s6 =	sadd.s32 s5, s1;
	s5 =	smul.u32 $0x300, s5;
	[dreg:$0x1c] =	wrdreg s25  }
0x1e: {  	s23 =	simm.s32 $0x14080;
	[dreg:$0x1d] =	wrdreg s26;
	s6 =	sadd.s32 $0x11C00, s6  }
0x1f: {  	s24 =	simm.s32 $0x14880;
	[dreg:$0x3] =	wrdreg s6;
	s3 =	sadd.s32 s3, s5  }
0x20: {  	s7 =	simm.s32 $0x2;
	s5 =	simm.s32 $0x2080;
	[dreg:$0x4] =	wrdreg s3  }
0x21: {  	s25 =	simm.s32 $0x15080;
	s6 =	simm.s32 $0x2880;
	[dreg:$0x8] =	wrdreg s5  }
0x22: {  	v2 =	vlaneseq.u32;
	s26 =	simm.s32 $0x15880;
	[dreg:$0x9] =	wrdreg s6;
	s3 =	sadd.s32 $0x11E00, s1  }
0x23: {  	vm0 =	vmmov $0xffff;
	v1 =	vshrl.u32 v2, $0x3;
	s6 =	ssub.s32 s4, s20;
	s4 =	sadd.s32 $0x11F00, s1;
	s5 =	sadd.s32 $0x12000, s1  }
0x24: {  	v0 =	vand.u32 $0x7, v2;
	v2 =	vor.u32 $0x8, v2;
	v1 =	vmul.u32 $0x8, v1;
	s20 =	simm.s32 $0x12880;
	s1 =	simm.s32 $0x1;
	s6 =	smax.u32 s6, $0x1  }
.LBB2_1:
0x25: {  	s0 =	rddreg [dreg:$0x3]  }
0x26: {  	[tilespmem:s2], [sflag:$0x2] =	stream.linear.gather [hbm4b:s0+s2], $0x80, $0x38;
	[tilespmem:$0x18080] =	vst v63  }
0x27: {  	_ =	swait.ge [sflag:s7], $0x80  }
0x28: {  	[sflag:s7] =	ssyncset.done $0x0  }
0x29: {  	[sflag:s7] =	ssyncadd.s32 $0xFFFFFF80  }
0x2a: {  	v3 =	vld [tilespmem:$0x0];
	_ =	sdelay $0x4  }
0x2b: {  	v4 =	vshrl.u32 v3, $0x3  }
0x2c: {  	v4 =	vmul.u32 $0x30, v4  }
0x2d: {  	v3 =	vand.u32 $0x7, v3  }
0x2e: {  	v3 =	vor.u32 v3, v4  }
0x2f: {  	v4 =	vperm.xlane v3, v0;
	_ =	sdelay $0x1  }
0x30: {  	v4 =	vadd.s32 v1, v4;
	_ =	sdelay $0x3  }
0x31: {  	v3 =	vperm.xlane v3, v2  }
0x32: {  	[tilespmem:s8], [sflag:$0x1] =	stream.indirect_vreg.gather [hbm4b:s3+s2], $0x80, v4, vm0, $0xb8;
	[tilespmem:$0x18080] =	vst v63  }
0x33: {  	s0 =	rddreg [dreg:$0x5];
	v3 =	vadd.s32 v1, v3  }
0x34: {  	[tilespmem:s0], [sflag:$0x1] =	stream.indirect_vreg.gather [hbm4b:s4+s2], $0x80, v4, vm0, $0xb8;
	[tilespmem:$0x18080] =	vst v63  }
0x35: {  	s9 =	rddreg [dreg:$0x6]  }
0x36: {  	[tilespmem:s9], [sflag:$0x1] =	stream.indirect_vreg.gather [hbm4b:s5+s2], $0x80, v4, vm0, $0xb8;
	[tilespmem:$0x18080] =	vst v63  }
0x37: {  	s0 =	rddreg [dreg:$0x7]  }
0x38: {  	[tilespmem:s0], [sflag:$0x1] =	stream.indirect_vreg.gather [hbm4b:s3+s2], $0x80, v3, vm0, $0xb8;
	[tilespmem:$0x18080] =	vst v63  }
0x39: {  	s9 =	rddreg [dreg:$0x8]  }
0x3a: {  	[tilespmem:s9], [sflag:$0x1] =	stream.indirect_vreg.gather [hbm4b:s4+s2], $0x80, v3, vm0, $0xb8;
	[tilespmem:$0x18080] =	vst v63  }
0x3b: {  	s0 =	rddreg [dreg:$0x9]  }
0x3c: {  	[tilespmem:s0], [sflag:$0x1] =	stream.indirect_vreg.gather [hbm4b:s5+s2], $0x80, v3, vm0, $0xb8;
	[tilespmem:$0x18080] =	vst v63  }
0x3d: {  	v3 =	vld [tilespmem:$0x10];
	_ =	sdelay $0x4  }
0x3e: {  	v57 =	vshrl.u32 v3, $0x3  }
0x3f: {  	v4 =	vmul.u32 $0x30, v57  }
0x40: {  	v3 =	vand.u32 $0x7, v3  }
0x41: {  	v3 =	vor.u32 v3, v4  }
0x42: {  	v4 =	vperm.xlane v3, v0;
	_ =	sdelay $0x1  }
0x43: {  	v4 =	vadd.s32 v1, v4;
	_ =	sdelay $0x3  }
0x44: {  	s0 =	rddreg [dreg:$0xa];
	v3 =	vperm.xlane v3, v2  }
0x45: {  	[tilespmem:s0], [sflag:$0x1] =	stream.indirect_vreg.gather [hbm4b:s3+s2], $0x80, v4, vm0, $0xb8;
	[tilespmem:$0x18080] =	vst v63  }
0x46: {  	s9 =	rddreg [dreg:$0xb];
	v3 =	vadd.s32 v1, v3  }
0x47: {  	[tilespmem:s9], [sflag:$0x1] =	stream.indirect_vreg.gather [hbm4b:s4+s2], $0x80, v4, vm0, $0xb8;
	[tilespmem:$0x18080] =	vst v63  }
0x48: {  	s0 =	rddreg [dreg:$0xc]  }
0x49: {  	[tilespmem:s0], [sflag:$0x1] =	stream.indirect_vreg.gather [hbm4b:s5+s2], $0x80, v4, vm0, $0xb8;
	[tilespmem:$0x18080] =	vst v63  }
0x4a: {  	s9 =	rddreg [dreg:$0xd]  }
0x4b: {  	[tilespmem:s9], [sflag:$0x1] =	stream.indirect_vreg.gather [hbm4b:s3+s2], $0x80, v3, vm0, $0xb8;
	[tilespmem:$0x18080] =	vst v63  }
0x4c: {  	s0 =	rddreg [dreg:$0xe]  }
0x4d: {  	[tilespmem:s0], [sflag:$0x1] =	stream.indirect_vreg.gather [hbm4b:s4+s2], $0x80, v3, vm0, $0xb8;
	[tilespmem:$0x18080] =	vst v63  }
0x4e: {  	s9 =	rddreg [dreg:$0xf]  }
0x4f: {  	[tilespmem:s9], [sflag:$0x1] =	stream.indirect_vreg.gather [hbm4b:s5+s2], $0x80, v3, vm0, $0xb8;
	[tilespmem:$0x18080] =	vst v63  }
0x50: {  	v3 =	vld [tilespmem:$0x20];
	_ =	sdelay $0x4  }
0x51: {  	v58 =	vshrl.u32 v3, $0x3  }
0x52: {  	v4 =	vmul.u32 $0x30, v58  }
0x53: {  	v3 =	vand.u32 $0x7, v3  }
0x54: {  	v3 =	vor.u32 v3, v4  }
0x55: {  	v4 =	vperm.xlane v3, v0;
	_ =	sdelay $0x1  }
0x56: {  	v4 =	vadd.s32 v1, v4;
	_ =	sdelay $0x3  }
0x57: {  	s0 =	rddreg [dreg:$0x10];
	v3 =	vperm.xlane v3, v2  }
0x58: {  	[tilespmem:s0], [sflag:$0x1] =	stream.indirect_vreg.gather [hbm4b:s3+s2], $0x80, v4, vm0, $0xb8;
	[tilespmem:$0x18080] =	vst v63  }
0x59: {  	s9 =	rddreg [dreg:$0x11];
	v3 =	vadd.s32 v1, v3  }
0x5a: {  	[tilespmem:s9], [sflag:$0x1] =	stream.indirect_vreg.gather [hbm4b:s4+s2], $0x80, v4, vm0, $0xb8;
	[tilespmem:$0x18080] =	vst v63  }
0x5b: {  	s0 =	rddreg [dreg:$0x12]  }
0x5c: {  	[tilespmem:s0], [sflag:$0x1] =	stream.indirect_vreg.gather [hbm4b:s5+s2], $0x80, v4, vm0, $0xb8;
	[tilespmem:$0x18080] =	vst v63  }
0x5d: {  	s9 =	rddreg [dreg:$0x13]  }
0x5e: {  	[tilespmem:s9], [sflag:$0x1] =	stream.indirect_vreg.gather [hbm4b:s3+s2], $0x80, v3, vm0, $0xb8;
	[tilespmem:$0x18080] =	vst v63  }
0x5f: {  	s0 =	rddreg [dreg:$0x14]  }
0x60: {  	[tilespmem:s0], [sflag:$0x1] =	stream.indirect_vreg.gather [hbm4b:s4+s2], $0x80, v3, vm0, $0xb8;
	[tilespmem:$0x18080] =	vst v63  }
0x61: {  	s9 =	rddreg [dreg:$0x15]  }
0x62: {  	[tilespmem:s9], [sflag:$0x1] =	stream.indirect_vreg.gather [hbm4b:s5+s2], $0x80, v3, vm0, $0xb8;
	[tilespmem:$0x18080] =	vst v63  }
0x63: {  	v3 =	vld [tilespmem:$0x30];
	_ =	sdelay $0x4  }
0x64: {  	v59 =	vshrl.u32 v3, $0x3  }
0x65: {  	v4 =	vmul.u32 $0x30, v59  }
0x66: {  	v3 =	vand.u32 $0x7, v3  }
0x67: {  	v3 =	vor.u32 v3, v4  }
0x68: {  	v4 =	vperm.xlane v3, v0;
	_ =	sdelay $0x1  }
0x69: {  	v4 =	vadd.s32 v1, v4;
	_ =	sdelay $0x3  }
0x6a: {  	s0 =	rddreg [dreg:$0x16];
	v3 =	vperm.xlane v3, v2  }
0x6b: {  	[tilespmem:s0], [sflag:$0x1] =	stream.indirect_vreg.gather [hbm4b:s3+s2], $0x80, v4, vm0, $0xb8;
	[tilespmem:$0x18080] =	vst v63  }
0x6c: {  	s9 =	rddreg [dreg:$0x17];
	v3 =	vadd.s32 v1, v3  }
0x6d: {  	[tilespmem:s9], [sflag:$0x1] =	stream.indirect_vreg.gather [hbm4b:s4+s2], $0x80, v4, vm0, $0xb8;
	[tilespmem:$0x18080] =	vst v63  }
0x6e: {  	s0 =	rddreg [dreg:$0x18]  }
0x6f: {  	[tilespmem:s0], [sflag:$0x1] =	stream.indirect_vreg.gather [hbm4b:s5+s2], $0x80, v4, vm0, $0xb8;
	[tilespmem:$0x18080] =	vst v63  }
0x70: {  	s9 =	rddreg [dreg:$0x19]  }
0x71: {  	[tilespmem:s9], [sflag:$0x1] =	stream.indirect_vreg.gather [hbm4b:s3+s2], $0x80, v3, vm0, $0xb8;
	[tilespmem:$0x18080] =	vst v63  }
0x72: {  	s0 =	rddreg [dreg:$0x1a]  }
0x73: {  	[tilespmem:s0], [sflag:$0x1] =	stream.indirect_vreg.gather [hbm4b:s4+s2], $0x80, v3, vm0, $0xb8;
	[tilespmem:$0x18080] =	vst v63  }
0x74: {  	s9 =	rddreg [dreg:$0x1b]  }
0x75: {  	[tilespmem:s9], [sflag:$0x1] =	stream.indirect_vreg.gather [hbm4b:s5+s2], $0x80, v3, vm0, $0xb8;
	[tilespmem:$0x18080] =	vst v63  }
0x76: {  	v3 =	vld [tilespmem:$0x40];
	_ =	sdelay $0x4  }
0x77: {  	v60 =	vshrl.u32 v3, $0x3  }
0x78: {  	v4 =	vmul.u32 $0x30, v60  }
0x79: {  	v3 =	vand.u32 $0x7, v3  }
0x7a: {  	v3 =	vor.u32 v3, v4  }
0x7b: {  	v4 =	vperm.xlane v3, v0;
	_ =	sdelay $0x1  }
0x7c: {  	v4 =	vadd.s32 v1, v4;
	_ =	sdelay $0x3  }
0x7d: {  	s0 =	rddreg [dreg:$0x1c];
	v3 =	vperm.xlane v3, v2  }
0x7e: {  	[tilespmem:s0], [sflag:$0x1] =	stream.indirect_vreg.gather [hbm4b:s3+s2], $0x80, v4, vm0, $0xb8;
	[tilespmem:$0x18080] =	vst v63  }
0x7f: {  	s9 =	rddreg [dreg:$0x1d];
	v3 =	vadd.s32 v1, v3  }
0x80: {  	[tilespmem:s9], [sflag:$0x1] =	stream.indirect_vreg.gather [hbm4b:s4+s2], $0x80, v4, vm0, $0xb8;
	[tilespmem:$0x18080] =	vst v63  }
0x81: {  	s9 =	simm.s32 $0xD080  }
0x82: {  	[tilespmem:s9], [sflag:$0x1] =	stream.indirect_vreg.gather [hbm4b:s5+s2], $0x80, v4, vm0, $0xb8;
	[tilespmem:$0x18080] =	vst v63  }
0x83: {  	_ = 	snop  }
0x84: {  	[tilespmem:s10], [sflag:$0x1] =	stream.indirect_vreg.gather [hbm4b:s3+s2], $0x80, v3, vm0, $0xb8;
	[tilespmem:$0x18080] =	vst v63  }
0x85: {  	_ = 	snop  }
0x86: {  	[tilespmem:s11], [sflag:$0x1] =	stream.indirect_vreg.gather [hbm4b:s4+s2], $0x80, v3, vm0, $0xb8;
	[tilespmem:$0x18080] =	vst v63  }
0x87: {  	_ = 	snop  }
0x88: {  	[tilespmem:s12], [sflag:$0x1] =	stream.indirect_vreg.gather [hbm4b:s5+s2], $0x80, v3, vm0, $0xb8;
	[tilespmem:$0x18080] =	vst v63  }
0x89: {  	v3 =	vld [tilespmem:$0x50];
	_ =	sdelay $0x4  }
0x8a: {  	v61 =	vshrl.u32 v3, $0x3  }
0x8b: {  	v4 =	vmul.u32 $0x30, v61  }
0x8c: {  	v3 =	vand.u32 $0x7, v3  }
0x8d: {  	v3 =	vor.u32 v3, v4  }
0x8e: {  	v4 =	vperm.xlane v3, v0;
	_ =	sdelay $0x1  }
0x8f: {  	v4 =	vadd.s32 v1, v4;
	_ =	sdelay $0x3  }
0x90: {  	v3 =	vperm.xlane v3, v2  }
0x91: {  	[tilespmem:s13], [sflag:$0x1] =	stream.indirect_vreg.gather [hbm4b:s3+s2], $0x80, v4, vm0, $0xb8;
	[tilespmem:$0x18080] =	vst v63  }
0x92: {  	v3 =	vadd.s32 v1, v3  }
0x93: {  	[tilespmem:s14], [sflag:$0x1] =	stream.indirect_vreg.gather [hbm4b:s4+s2], $0x80, v4, vm0, $0xb8;
	[tilespmem:$0x18080] =	vst v63  }
0x94: {  	_ = 	snop  }
0x95: {  	[tilespmem:s15], [sflag:$0x1] =	stream.indirect_vreg.gather [hbm4b:s5+s2], $0x80, v4, vm0, $0xb8;
	[tilespmem:$0x18080] =	vst v63  }
0x96: {  	_ = 	snop  }
0x97: {  	[tilespmem:s16], [sflag:$0x1] =	stream.indirect_vreg.gather [hbm4b:s3+s2], $0x80, v3, vm0, $0xb8;
	[tilespmem:$0x18080] =	vst v63  }
0x98: {  	_ = 	snop  }
0x99: {  	[tilespmem:s17], [sflag:$0x1] =	stream.indirect_vreg.gather [hbm4b:s4+s2], $0x80, v3, vm0, $0xb8;
	[tilespmem:$0x18080] =	vst v63  }
0x9a: {  	_ = 	snop  }
0x9b: {  	[tilespmem:s18], [sflag:$0x1] =	stream.indirect_vreg.gather [hbm4b:s5+s2], $0x80, v3, vm0, $0xb8;
	[tilespmem:$0x18080] =	vst v63  }
0x9c: {  	v3 =	vld [tilespmem:$0x60];
	_ =	sdelay $0x4  }
0x9d: {  	v62 =	vshrl.u32 v3, $0x3  }
0x9e: {  	v4 =	vmul.u32 $0x30, v62  }
0x9f: {  	v3 =	vand.u32 $0x7, v3  }
0xa0: {  	v3 =	vor.u32 v3, v4  }
0xa1: {  	v4 =	vperm.xlane v3, v0;
	_ =	sdelay $0x1  }
0xa2: {  	v4 =	vadd.s32 v1, v4;
	_ =	sdelay $0x3  }
0xa3: {  	v3 =	vperm.xlane v3, v2  }
0xa4: {  	[tilespmem:s19], [sflag:$0x1] =	stream.indirect_vreg.gather [hbm4b:s3+s2], $0x80, v4, vm0, $0xb8;
	[tilespmem:$0x18080] =	vst v63  }
0xa5: {  	v3 =	vadd.s32 v1, v3  }
0xa6: {  	[tilespmem:s20], [sflag:$0x1] =	stream.indirect_vreg.gather [hbm4b:s4+s2], $0x80, v4, vm0, $0xb8;
	[tilespmem:$0x18080] =	vst v63  }
0xa7: {  	_ = 	snop  }
0xa8: {  	[tilespmem:s21], [sflag:$0x1] =	stream.indirect_vreg.gather [hbm4b:s5+s2], $0x80, v4, vm0, $0xb8;
	[tilespmem:$0x18080] =	vst v63  }
0xa9: {  	_ = 	snop  }
0xaa: {  	[tilespmem:s22], [sflag:$0x1] =	stream.indirect_vreg.gather [hbm4b:s3+s2], $0x80, v3, vm0, $0xb8;
	[tilespmem:$0x18080] =	vst v63  }
0xab: {  	_ = 	snop  }
0xac: {  	[tilespmem:s23], [sflag:$0x1] =	stream.indirect_vreg.gather [hbm4b:s4+s2], $0x80, v3, vm0, $0xb8;
	[tilespmem:$0x18080] =	vst v63  }
0xad: {  	_ = 	snop  }
0xae: {  	[tilespmem:s24], [sflag:$0x1] =	stream.indirect_vreg.gather [hbm4b:s5+s2], $0x80, v3, vm0, $0xb8;
	[tilespmem:$0x18080] =	vst v63  }
0xaf: {  	v3 =	vld [tilespmem:$0x70];
	_ =	sdelay $0x4  }
0xb0: {  	v63 =	vshrl.u32 v3, $0x3  }
0xb1: {  	v4 =	vmul.u32 $0x30, v63  }
0xb2: {  	v3 =	vand.u32 $0x7, v3  }
0xb3: {  	v3 =	vor.u32 v3, v4  }
0xb4: {  	v4 =	vperm.xlane v3, v0;
	_ =	sdelay $0x1  }
0xb5: {  	v4 =	vadd.s32 v1, v4;
	_ =	sdelay $0x3  }
0xb6: {  	v3 =	vperm.xlane v3, v2  }
0xb7: {  	[tilespmem:s25], [sflag:$0x1] =	stream.indirect_vreg.gather [hbm4b:s3+s2], $0x80, v4, vm0, $0xb8;
	[tilespmem:$0x18080] =	vst v63  }
0xb8: {  	v3 =	vadd.s32 v1, v3  }
0xb9: {  	[tilespmem:s26], [sflag:$0x1] =	stream.indirect_vreg.gather [hbm4b:s4+s2], $0x80, v4, vm0, $0xb8;
	[tilespmem:$0x18080] =	vst v63  }
0xba: {  	_ = 	snop  }
0xbb: {  	[tilespmem:s28], [sflag:$0x1] =	stream.indirect_vreg.gather [hbm4b:s5+s2], $0x80, v4, vm0, $0xb8;
	[tilespmem:$0x18080] =	vst v63  }
0xbc: {  	_ = 	snop  }
0xbd: {  	[tilespmem:s29], [sflag:$0x1] =	stream.indirect_vreg.gather [hbm4b:s3+s2], $0x80, v3, vm0, $0xb8;
	[tilespmem:$0x18080] =	vst v63  }
0xbe: {  	_ = 	snop  }
0xbf: {  	[tilespmem:s30], [sflag:$0x1] =	stream.indirect_vreg.gather [hbm4b:s4+s2], $0x80, v3, vm0, $0xb8;
	[tilespmem:$0x18080] =	vst v63  }
0xc0: {  	_ = 	snop  }
0xc1: {  	[tilespmem:s31], [sflag:$0x1] =	stream.indirect_vreg.gather [hbm4b:s5+s2], $0x80, v3, vm0, $0xb8;
	[tilespmem:$0x18080] =	vst v63  }
0xc2: {  	_ =	swait.ge [sflag:s1], $0x18000  }
0xc3: {  	p0 =	sne.s32 s6, $0x1;
	[sflag:s1] =	ssyncset.done $0x0  }
.Ltmp0:
0xc4: {  	s9 =	rddreg [dreg:$0x4];
	[sflag:s1] =	ssyncadd.s32 $0xFFFE8000;
	(pc) =	sbr.rel @p0 .LBB2_1-.Ltmp0, $4  }
0xc5: {  	[hbm4b:s9+s2] =	stream.linear.scatter [tilespmem:s8], [sflag:$0x2], $0x18000, $0x38;
	[tilespmem:$0x18080] =	vst v63  }
0xc6: {  	_ =	swait.ge [sflag:s7], $0x18000  }
0xc7: {  	[sflag:s7] =	ssyncset.done $0x0  }
0xc8: {  	s6 =	sadd.s32 $0xFFFFFFFF, s6;
	[sflag:s7] =	ssyncadd.s32 $0xFFFE8000  }
0xc9: {  	_ =	sfence.sel $0x180000  }
0xca: {  	[bflag:$0x0] =	sbarrier.arrive $0xFFFF  }
0xcb: {  	_ =	strace $0x9000004A  }
0xcc: {  	s0 =	stileid.u32;
	[bflag:$0x2] =	sbarrier.arrive $0xFFFF  }
0xcd: {  	p0 =	sne.s32 s0, $0x0;
	s0 =	rddreg [dreg:$0x2]  }
0xce: {  	s0 =	sadd.s32 @!p0 $0x100000, s0  }
0xcf: {  	[sflag:s0] =	ssyncadd.tile.s32 @!p0 $0x1;
	_ =	shalt  }
.Lfunc_end2:
_tile_overlayer_lowered:
.L_overlay_start_2:
0xd0: {  	(tag) =	ssettag $0x2  }
0xd1: {  	s0 =	rddreg [dreg:$0x0];
	s2 =	stileid.u32  }
0xd2: {  	s1 =	rddreg [dreg:$0x1];
	p0 =	sne.s32 s2, $0x0  }
0xd3: {  	s3 =	rddreg [dreg:$0x2];
	[bflag:$0x3] =	sbarrier.arrive $0xFFFF;
	s2 =	simm.s32 @!p0 $0x1C02  }
0xd4: {  	[timem:s3], [sflag:s2] =	dma.local @!p0 [hbm:s0], s1  }
0xd5: {  	s0 =	simm.s32 @!p0 $0x2  }
0xd6: {  	_ =	swait.ge @!p0 [sflag:s0], s1  }
0xd7: {  	s1 =	ssub.s32 @!p0 $0x0, s1;
	[sflag:s0] =	ssyncset.done @!p0 $0x0  }
0xd8: {  	[sflag:s0] =	ssyncadd.s32 @!p0 s1  }
0xd9: {  	[bflag:$0x3] =	sbarrier.arrive $0xFFFF  }
0xda: {  	_ =	shalt  }

</sc_bundles>
